<compile_context>
chip_gen: v7x
topology: tpu7x:2x2x1
jax: 0.10.2.dev20260603
libtpu: 0.0.44.dev20260713+nightly
codegen_flags: <defaults>
</compile_context>

<pallas_src>
import functools

import jax
import jax.numpy as jnp
from jax import lax
from jax.experimental import pallas as pl
from jax.experimental.pallas import tpu as pltpu
from jax.experimental.pallas import tpu_sc as plsc

VOCAB = 100000
DIM = 128
B = 1024
S = 200
TOTAL = B * S

NC = 2
NS = 16
NW = NC * NS
PER_W = TOTAL // NW
CH = 128
NCHUNK = PER_W // CH
NBUF = 5
MAIN_ROUNDS = NCHUNK // NBUF - 1

_mesh = plsc.VectorSubcoreMesh(core_axis_name="c", subcore_axis_name="s")


@functools.partial(
    pl.kernel,
    mesh=_mesh,
    out_type=jax.ShapeDtypeStruct((TOTAL, DIM), jnp.float32),
    scratch_types=[
        pltpu.VMEM((NCHUNK, CH), jnp.int32),
        pltpu.VMEM((NBUF, CH, DIM), jnp.float32),
    ]
    + [pltpu.SemaphoreType.DMA] * (2 * NBUF),
)
def _gather_kernel(idx_hbm, table_hbm, out_hbm, idx_v, rows_v, *sems):
    gsem = sems[:NBUF]
    osem = sems[NBUF:]
    wid = lax.axis_index("s") * NC + lax.axis_index("c")
    base = wid * PER_W

    pltpu.sync_copy(idx_hbm.at[wid], idx_v)

    def start_gather(g, b):
        pltpu.async_copy(table_hbm.at[idx_v.at[g]], rows_v.at[b], gsem[b])

    def wait_gather(b):
        pltpu.make_async_copy(
            table_hbm.at[idx_v.at[0]], rows_v.at[b], gsem[b]
        ).wait()

    def start_out(g, b):
        pltpu.async_copy(
            rows_v.at[b], out_hbm.at[pl.ds(base + g * CH, CH)], osem[b]
        )

    def wait_out(b):
        pltpu.make_async_copy(
            rows_v.at[b], out_hbm.at[pl.ds(base, CH)], osem[b]
        ).wait()

    for b in range(NBUF):
        start_gather(b, b)

    def round_body(r, carry):
        g0 = r * NBUF
        for b in range(NBUF):
            g = g0 + b
            wait_gather(b)
            start_out(g, b)
            wait_out(b)
            start_gather(g + NBUF, b)
        return carry

    lax.fori_loop(0, MAIN_ROUNDS, round_body, 0)

    for b in range(NBUF):
        g = NCHUNK - NBUF + b
        wait_gather(b)
        start_out(g, b)
    for b in range(NBUF):
        wait_out(b)


def kernel(batch_sent_input, W):
    idx = batch_sent_input.astype(jnp.int32).reshape(NW, NCHUNK, CH)
    out = _gather_kernel(idx, W)
    return out.reshape(B, S, DIM)

# --- scband reference (transcript-rebuilt; emitter-appended) ---
"""Pipeline reference for scband-word-char-encoder-46858093199541 (READ-ONLY COPY).

The authoritative reference and input builder live on the scoring server;
editing this copy changes nothing except your own understanding.
"""

import jax, jax.numpy as jnp
import numpy as np

VOCAB = 100000
DIM = 128
B = 1024
S = 200


def setup_inputs(seed: int = 0) -> dict:
    key = jax.random.key(seed)
    k1, k2 = jax.random.split(key)
    batch_sent_input = jax.random.randint(k1, (B, S), 0, VOCAB)
    W = jax.random.normal(k2, (VOCAB, DIM), dtype=jnp.float32)
    # padding_idx=0: nn.Embedding keeps that row at zero
    W = W.at[0].set(0.0)
    return {"batch_sent_input": batch_sent_input, "W": W}


def reference(batch_sent_input, W):
    # forward with batch_sent_char_input=None: pure word embedding lookup
    # (dropout=0.0, so dropout is identity; CharCNN branch is skipped)
    batch_sent_vecs = jnp.take(W, batch_sent_input, axis=0)
    return batch_sent_vecs

if __name__ == "__main__":
    import jax
    _d = setup_inputs()
    print(jax.jit(kernel)(*tuple(_d.values())))

</pallas_src>

<mosaic_0001>
#map = affine_map<(d0, d1) -> (0, 0, 0)>
#map1 = affine_map<(d0, d1) -> (0, 0)>
module attributes {stable_mosaic.version = 14 : i64} {
  func.func @_gather_kernel(%arg0: i32, %arg1: i32, %arg2: memref<32x50x128xi32, #tpu.memory_space<hbm>>, %arg3: memref<100000x128xf32, #tpu.memory_space<hbm>>, %arg4: memref<204800x128xf32, #tpu.memory_space<hbm>>, %arg5: memref<50x128xi32, #tpu.memory_space<vmem>>, %arg6: memref<5x128x128xf32, #tpu.memory_space<vmem>>, %arg7: memref<!tpu.dma_semaphore, #tpu.memory_space<semaphore_mem>>, %arg8: memref<!tpu.dma_semaphore, #tpu.memory_space<semaphore_mem>>, %arg9: memref<!tpu.dma_semaphore, #tpu.memory_space<semaphore_mem>>, %arg10: memref<!tpu.dma_semaphore, #tpu.memory_space<semaphore_mem>>, %arg11: memref<!tpu.dma_semaphore, #tpu.memory_space<semaphore_mem>>, %arg12: memref<!tpu.dma_semaphore, #tpu.memory_space<semaphore_mem>>, %arg13: memref<!tpu.dma_semaphore, #tpu.memory_space<semaphore_mem>>, %arg14: memref<!tpu.dma_semaphore, #tpu.memory_space<semaphore_mem>>, %arg15: memref<!tpu.dma_semaphore, #tpu.memory_space<semaphore_mem>>, %arg16: memref<!tpu.dma_semaphore, #tpu.memory_space<semaphore_mem>>) attributes {dimension_semantics = [#tpu.dimension_semantics<core_parallel>, #tpu.dimension_semantics<subcore_parallel>], iteration_bounds = array<i64: 2, 16>, scalar_prefetch = 0 : i64, scratch_operands = 12 : i64, tpu.core_type = #tpu.core_type<sc_vector_subcore>, window_params = [{transform_indices = #map}, {transform_indices = #map1}, {transform_indices = #map1}]} {
    %mul3A = arith.constant 2 : i32
    %mul3A_0 = arith.muli %arg1, %mul3A : i32
    %add3A = arith.addi %mul3A_0, %arg0 : i32
    %mul3A_1 = arith.constant 6400 : i32
    %mul3A_2 = arith.muli %add3A, %mul3A_1 : i32
    "tpu.region"() ({
      %run_scoped3A = tpu.sem_alloc : memref<!tpu.dma_semaphore, #tpu.memory_space<semaphore_mem>>
      %dma_start3A_266 = arith.constant 0 : i32
      %dma_start3A_267 = arith.constant 0 : i32
      %dma_start3A_268 = tpu.memref_slice %arg2[%add3A, %dma_start3A_266, %dma_start3A_267] : memref<32x50x128xi32, #tpu.memory_space<hbm>> -> memref<1x50x128xi32, #tpu.memory_space<hbm>>
      %dma_start3A_269 = tpu.memref_squeeze %dma_start3A_268 : memref<1x50x128xi32, #tpu.memory_space<hbm>> -> memref<50x128xi32, #tpu.memory_space<hbm>>
      %dma_start3A_270 = arith.constant 0 : i32
      %dma_start3A_271 = arith.constant 0 : i32
      %dma_start3A_272 = tpu.memref_slice %arg2[%add3A, %dma_start3A_270, %dma_start3A_271] : memref<32x50x128xi32, #tpu.memory_space<hbm>> -> memref<1x50x128xi32, #tpu.memory_space<hbm>>
      %dma_start3A_273 = tpu.memref_squeeze %dma_start3A_272 : memref<1x50x128xi32, #tpu.memory_space<hbm>> -> memref<50x128xi32, #tpu.memory_space<hbm>>
      tpu.enqueue_dma source(%dma_start3A_273 : memref<50x128xi32, #tpu.memory_space<hbm>>) target(%arg5 : memref<50x128xi32, #tpu.memory_space<vmem>>) target_semaphore(%run_scoped3A : memref<!tpu.dma_semaphore, #tpu.memory_space<semaphore_mem>>)
      %dma_wait3A_274 = arith.constant 0 : i32
      %dma_wait3A_275 = arith.constant 0 : i32
      %dma_wait3A_276 = tpu.memref_slice %arg2[%add3A, %dma_wait3A_274, %dma_wait3A_275] : memref<32x50x128xi32, #tpu.memory_space<hbm>> -> memref<1x50x128xi32, #tpu.memory_space<hbm>>
      %dma_wait3A_277 = tpu.memref_squeeze %dma_wait3A_276 : memref<1x50x128xi32, #tpu.memory_space<hbm>> -> memref<50x128xi32, #tpu.memory_space<hbm>>
      %dma_wait3A_278 = arith.constant 0 : i32
      %dma_wait3A_279 = arith.constant 0 : i32
      %dma_wait3A_280 = tpu.memref_slice %arg2[%add3A, %dma_wait3A_278, %dma_wait3A_279] : memref<32x50x128xi32, #tpu.memory_space<hbm>> -> memref<1x50x128xi32, #tpu.memory_space<hbm>>
      %dma_wait3A_281 = tpu.memref_squeeze %dma_wait3A_280 : memref<1x50x128xi32, #tpu.memory_space<hbm>> -> memref<50x128xi32, #tpu.memory_space<hbm>>
      tpu.wait_dma2 semaphore(%run_scoped3A : memref<!tpu.dma_semaphore, #tpu.memory_space<semaphore_mem>>) src(%dma_wait3A_281 : memref<50x128xi32, #tpu.memory_space<hbm>>) dst(%arg5 : memref<50x128xi32, #tpu.memory_space<vmem>>)
      tpu.yield
    }) : () -> ()
    %dma_start3A = arith.constant 0 : i32
    %dma_start3A_3 = arith.constant 0 : i32
    %dma_start3A_4 = arith.constant 0 : i32
    %dma_start3A_5 = arith.constant 0 : i32
    %dma_start3A_6 = tpu.memref_slice %arg6[%dma_start3A_3, %dma_start3A_4, %dma_start3A_5] : memref<5x128x128xf32, #tpu.memory_space<vmem>> -> memref<1x128x128xf32, #tpu.memory_space<vmem>>
    %dma_start3A_7 = tpu.memref_squeeze %dma_start3A_6 : memref<1x128x128xf32, #tpu.memory_space<vmem>> -> memref<128x128xf32, #tpu.memory_space<vmem>>
    %dma_start3A_8 = arith.constant 0 : i32
    %dma_start3A_9 = tpu.memref_slice %arg5[%dma_start3A, %dma_start3A_8] : memref<50x128xi32, #tpu.memory_space<vmem>> -> memref<1x128xi32, #tpu.memory_space<vmem>>
    %dma_start3A_10 = tpu.memref_squeeze %dma_start3A_9 : memref<1x128xi32, #tpu.memory_space<vmem>> -> memref<128xi32, #tpu.memory_space<vmem>>
    %dma_start3A_11 = arith.constant 0 : i32
    %dma_start3A_12 = arith.constant 0 : i32
    %dma_start3A_13 = tpu.memref_slice %arg3[%dma_start3A_11, %dma_start3A_12] : memref<100000x128xf32, #tpu.memory_space<hbm>> -> memref<100000x128xf32, #tpu.memory_space<hbm>>
    tpu.enqueue_indirect_dma source(%dma_start3A_13 : memref<100000x128xf32, #tpu.memory_space<hbm>>) target(%dma_start3A_7 : memref<128x128xf32, #tpu.memory_space<vmem>>) offsets(%dma_start3A_10 : memref<128xi32, #tpu.memory_space<vmem>>) semaphore(%arg7 : memref<!tpu.dma_semaphore, #tpu.memory_space<semaphore_mem>>)
    %dma_start3A_14 = arith.constant 1 : i32
    %dma_start3A_15 = arith.constant 1 : i32
    %dma_start3A_16 = arith.constant 0 : i32
    %dma_start3A_17 = arith.constant 0 : i32
    %dma_start3A_18 = tpu.memref_slice %arg6[%dma_start3A_15, %dma_start3A_16, %dma_start3A_17] : memref<5x128x128xf32, #tpu.memory_space<vmem>> -> memref<1x128x128xf32, #tpu.memory_space<vmem>>
    %dma_start3A_19 = tpu.memref_squeeze %dma_start3A_18 : memref<1x128x128xf32, #tpu.memory_space<vmem>> -> memref<128x128xf32, #tpu.memory_space<vmem>>
    %dma_start3A_20 = arith.constant 0 : i32
    %dma_start3A_21 = tpu.memref_slice %arg5[%dma_start3A_14, %dma_start3A_20] : memref<50x128xi32, #tpu.memory_space<vmem>> -> memref<1x128xi32, #tpu.memory_space<vmem>>
    %dma_start3A_22 = tpu.memref_squeeze %dma_start3A_21 : memref<1x128xi32, #tpu.memory_space<vmem>> -> memref<128xi32, #tpu.memory_space<vmem>>
    %dma_start3A_23 = arith.constant 0 : i32
    %dma_start3A_24 = arith.constant 0 : i32
    %dma_start3A_25 = tpu.memref_slice %arg3[%dma_start3A_23, %dma_start3A_24] : memref<100000x128xf32, #tpu.memory_space<hbm>> -> memref<100000x128xf32, #tpu.memory_space<hbm>>
    tpu.enqueue_indirect_dma source(%dma_start3A_25 : memref<100000x128xf32, #tpu.memory_space<hbm>>) target(%dma_start3A_19 : memref<128x128xf32, #tpu.memory_space<vmem>>) offsets(%dma_start3A_22 : memref<128xi32, #tpu.memory_space<vmem>>) semaphore(%arg8 : memref<!tpu.dma_semaphore, #tpu.memory_space<semaphore_mem>>)
    %dma_start3A_26 = arith.constant 2 : i32
    %dma_start3A_27 = arith.constant 2 : i32
    %dma_start3A_28 = arith.constant 0 : i32
    %dma_start3A_29 = arith.constant 0 : i32
    %dma_start3A_30 = tpu.memref_slice %arg6[%dma_start3A_27, %dma_start3A_28, %dma_start3A_29] : memref<5x128x128xf32, #tpu.memory_space<vmem>> -> memref<1x128x128xf32, #tpu.memory_space<vmem>>
    %dma_start3A_31 = tpu.memref_squeeze %dma_start3A_30 : memref<1x128x128xf32, #tpu.memory_space<vmem>> -> memref<128x128xf32, #tpu.memory_space<vmem>>
    %dma_start3A_32 = arith.constant 0 : i32
    %dma_start3A_33 = tpu.memref_slice %arg5[%dma_start3A_26, %dma_start3A_32] : memref<50x128xi32, #tpu.memory_space<vmem>> -> memref<1x128xi32, #tpu.memory_space<vmem>>
    %dma_start3A_34 = tpu.memref_squeeze %dma_start3A_33 : memref<1x128xi32, #tpu.memory_space<vmem>> -> memref<128xi32, #tpu.memory_space<vmem>>
    %dma_start3A_35 = arith.constant 0 : i32
    %dma_start3A_36 = arith.constant 0 : i32
    %dma_start3A_37 = tpu.memref_slice %arg3[%dma_start3A_35, %dma_start3A_36] : memref<100000x128xf32, #tpu.memory_space<hbm>> -> memref<100000x128xf32, #tpu.memory_space<hbm>>
    tpu.enqueue_indirect_dma source(%dma_start3A_37 : memref<100000x128xf32, #tpu.memory_space<hbm>>) target(%dma_start3A_31 : memref<128x128xf32, #tpu.memory_space<vmem>>) offsets(%dma_start3A_34 : memref<128xi32, #tpu.memory_space<vmem>>) semaphore(%arg9 : memref<!tpu.dma_semaphore, #tpu.memory_space<semaphore_mem>>)
    %dma_start3A_38 = arith.constant 3 : i32
    %dma_start3A_39 = arith.constant 3 : i32
    %dma_start3A_40 = arith.constant 0 : i32
    %dma_start3A_41 = arith.constant 0 : i32
    %dma_start3A_42 = tpu.memref_slice %arg6[%dma_start3A_39, %dma_start3A_40, %dma_start3A_41] : memref<5x128x128xf32, #tpu.memory_space<vmem>> -> memref<1x128x128xf32, #tpu.memory_space<vmem>>
    %dma_start3A_43 = tpu.memref_squeeze %dma_start3A_42 : memref<1x128x128xf32, #tpu.memory_space<vmem>> -> memref<128x128xf32, #tpu.memory_space<vmem>>
    %dma_start3A_44 = arith.constant 0 : i32
    %dma_start3A_45 = tpu.memref_slice %arg5[%dma_start3A_38, %dma_start3A_44] : memref<50x128xi32, #tpu.memory_space<vmem>> -> memref<1x128xi32, #tpu.memory_space<vmem>>
    %dma_start3A_46 = tpu.memref_squeeze %dma_start3A_45 : memref<1x128xi32, #tpu.memory_space<vmem>> -> memref<128xi32, #tpu.memory_space<vmem>>
    %dma_start3A_47 = arith.constant 0 : i32
    %dma_start3A_48 = arith.constant 0 : i32
    %dma_start3A_49 = tpu.memref_slice %arg3[%dma_start3A_47, %dma_start3A_48] : memref<100000x128xf32, #tpu.memory_space<hbm>> -> memref<100000x128xf32, #tpu.memory_space<hbm>>
    tpu.enqueue_indirect_dma source(%dma_start3A_49 : memref<100000x128xf32, #tpu.memory_space<hbm>>) target(%dma_start3A_43 : memref<128x128xf32, #tpu.memory_space<vmem>>) offsets(%dma_start3A_46 : memref<128xi32, #tpu.memory_space<vmem>>) semaphore(%arg10 : memref<!tpu.dma_semaphore, #tpu.memory_space<semaphore_mem>>)
    %dma_start3A_50 = arith.constant 4 : i32
    %dma_start3A_51 = arith.constant 4 : i32
    %dma_start3A_52 = arith.constant 0 : i32
    %dma_start3A_53 = arith.constant 0 : i32
    %dma_start3A_54 = tpu.memref_slice %arg6[%dma_start3A_51, %dma_start3A_52, %dma_start3A_53] : memref<5x128x128xf32, #tpu.memory_space<vmem>> -> memref<1x128x128xf32, #tpu.memory_space<vmem>>
    %dma_start3A_55 = tpu.memref_squeeze %dma_start3A_54 : memref<1x128x128xf32, #tpu.memory_space<vmem>> -> memref<128x128xf32, #tpu.memory_space<vmem>>
    %dma_start3A_56 = arith.constant 0 : i32
    %dma_start3A_57 = tpu.memref_slice %arg5[%dma_start3A_50, %dma_start3A_56] : memref<50x128xi32, #tpu.memory_space<vmem>> -> memref<1x128xi32, #tpu.memory_space<vmem>>
    %dma_start3A_58 = tpu.memref_squeeze %dma_start3A_57 : memref<1x128xi32, #tpu.memory_space<vmem>> -> memref<128xi32, #tpu.memory_space<vmem>>
    %dma_start3A_59 = arith.constant 0 : i32
    %dma_start3A_60 = arith.constant 0 : i32
    %dma_start3A_61 = tpu.memref_slice %arg3[%dma_start3A_59, %dma_start3A_60] : memref<100000x128xf32, #tpu.memory_space<hbm>> -> memref<100000x128xf32, #tpu.memory_space<hbm>>
    tpu.enqueue_indirect_dma source(%dma_start3A_61 : memref<100000x128xf32, #tpu.memory_space<hbm>>) target(%dma_start3A_55 : memref<128x128xf32, #tpu.memory_space<vmem>>) offsets(%dma_start3A_58 : memref<128xi32, #tpu.memory_space<vmem>>) semaphore(%arg11 : memref<!tpu.dma_semaphore, #tpu.memory_space<semaphore_mem>>)
    %scan3A = arith.constant 0 : i32
    %scan3A_62 = arith.constant 0 : i32
    %scan3A_63 = arith.constant 9 : i32
    %scan3A_64 = arith.addi %scan3A_62, %scan3A_63 : i32
    %scan3A_65 = arith.constant 1 : i32
    scf.for %scan3A_266 = %scan3A_62 to %scan3A_64 step %scan3A_65  : i32 {
      %mul3A_267 = arith.constant 5 : i32
      %mul3A_268 = arith.muli %scan3A_266, %mul3A_267 : i32
      %add3A_269 = arith.constant 0 : i32
      %add3A_270 = arith.addi %mul3A_268, %add3A_269 : i32
      %dma_wait3A_271 = arith.constant 0 : i32
      %dma_wait3A_272 = arith.constant 0 : i32
      %dma_wait3A_273 = arith.constant 0 : i32
      %dma_wait3A_274 = arith.constant 0 : i32
      %dma_wait3A_275 = tpu.memref_slice %arg6[%dma_wait3A_272, %dma_wait3A_273, %dma_wait3A_274] : memref<5x128x128xf32, #tpu.memory_space<vmem>> -> memref<1x128x128xf32, #tpu.memory_space<vmem>>
      %dma_wait3A_276 = tpu.memref_squeeze %dma_wait3A_275 : memref<1x128x128xf32, #tpu.memory_space<vmem>> -> memref<128x128xf32, #tpu.memory_space<vmem>>
      %dma_wait3A_277 = arith.constant 0 : i32
      %dma_wait3A_278 = tpu.memref_slice %arg5[%dma_wait3A_271, %dma_wait3A_277] : memref<50x128xi32, #tpu.memory_space<vmem>> -> memref<1x128xi32, #tpu.memory_space<vmem>>
      %dma_wait3A_279 = tpu.memref_squeeze %dma_wait3A_278 : memref<1x128xi32, #tpu.memory_space<vmem>> -> memref<128xi32, #tpu.memory_space<vmem>>
      %dma_wait3A_280 = arith.constant 0 : i32
      %dma_wait3A_281 = arith.constant 0 : i32
      %dma_wait3A_282 = tpu.memref_slice %arg3[%dma_wait3A_280, %dma_wait3A_281] : memref<100000x128xf32, #tpu.memory_space<hbm>> -> memref<100000x128xf32, #tpu.memory_space<hbm>>
      tpu.wait_indirect_dma semaphore(%arg7 : memref<!tpu.dma_semaphore, #tpu.memory_space<semaphore_mem>>) src(%dma_wait3A_282 : memref<100000x128xf32, #tpu.memory_space<hbm>>) dst(%dma_wait3A_276 : memref<128x128xf32, #tpu.memory_space<vmem>>)
      %mul3A_283 = arith.constant 128 : i32
      %mul3A_284 = arith.muli %add3A_270, %mul3A_283 : i32
      %add3A_285 = arith.addi %mul3A_2, %mul3A_284 : i32
      %dma_start3A_286 = arith.constant 0 : i32
      %dma_start3A_287 = arith.constant 0 : i32
      %dma_start3A_288 = arith.constant 0 : i32
      %dma_start3A_289 = tpu.memref_slice %arg6[%dma_start3A_286, %dma_start3A_287, %dma_start3A_288] : memref<5x128x128xf32, #tpu.memory_space<vmem>> -> memref<1x128x128xf32, #tpu.memory_space<vmem>>
      %dma_start3A_290 = tpu.memref_squeeze %dma_start3A_289 : memref<1x128x128xf32, #tpu.memory_space<vmem>> -> memref<128x128xf32, #tpu.memory_space<vmem>>
      %dma_start3A_291 = arith.constant 0 : i32
      %dma_start3A_292 = tpu.memref_slice %arg4[%add3A_285, %dma_start3A_291] : memref<204800x128xf32, #tpu.memory_space<hbm>> -> memref<128x128xf32, #tpu.memory_space<hbm>>
      %dma_start3A_293 = arith.constant 0 : i32
      %dma_start3A_294 = tpu.memref_slice %arg4[%add3A_285, %dma_start3A_293] : memref<204800x128xf32, #tpu.memory_space<hbm>> -> memref<128x128xf32, #tpu.memory_space<hbm>>
      %dma_start3A_295 = arith.constant 0 : i32
      %dma_start3A_296 = arith.constant 0 : i32
      %dma_start3A_297 = tpu.memref_slice %arg6[%dma_start3A_286, %dma_start3A_295, %dma_start3A_296] : memref<5x128x128xf32, #tpu.memory_space<vmem>> -> memref<1x128x128xf32, #tpu.memory_space<vmem>>
      %dma_start3A_298 = tpu.memref_squeeze %dma_start3A_297 : memref<1x128x128xf32, #tpu.memory_space<vmem>> -> memref<128x128xf32, #tpu.memory_space<vmem>>
      tpu.enqueue_dma source(%dma_start3A_298 : memref<128x128xf32, #tpu.memory_space<vmem>>) target(%dma_start3A_294 : memref<128x128xf32, #tpu.memory_space<hbm>>) target_semaphore(%arg12 : memref<!tpu.dma_semaphore, #tpu.memory_space<semaphore_mem>>)
      %dma_wait3A_299 = arith.constant 0 : i32
      %dma_wait3A_300 = arith.constant 0 : i32
      %dma_wait3A_301 = arith.constant 0 : i32
      %dma_wait3A_302 = tpu.memref_slice %arg6[%dma_wait3A_299, %dma_wait3A_300, %dma_wait3A_301] : memref<5x128x128xf32, #tpu.memory_space<vmem>> -> memref<1x128x128xf32, #tpu.memory_space<vmem>>
      %dma_wait3A_303 = tpu.memref_squeeze %dma_wait3A_302 : memref<1x128x128xf32, #tpu.memory_space<vmem>> -> memref<128x128xf32, #tpu.memory_space<vmem>>
      %dma_wait3A_304 = arith.constant 0 : i32
      %dma_wait3A_305 = tpu.memref_slice %arg4[%mul3A_2, %dma_wait3A_304] : memref<204800x128xf32, #tpu.memory_space<hbm>> -> memref<128x128xf32, #tpu.memory_space<hbm>>
      %dma_wait3A_306 = arith.constant 0 : i32
      %dma_wait3A_307 = tpu.memref_slice %arg4[%mul3A_2, %dma_wait3A_306] : memref<204800x128xf32, #tpu.memory_space<hbm>> -> memref<128x128xf32, #tpu.memory_space<hbm>>
      %dma_wait3A_308 = arith.constant 0 : i32
      %dma_wait3A_309 = arith.constant 0 : i32
      %dma_wait3A_310 = tpu.memref_slice %arg6[%dma_wait3A_299, %dma_wait3A_308, %dma_wait3A_309] : memref<5x128x128xf32, #tpu.memory_space<vmem>> -> memref<1x128x128xf32, #tpu.memory_space<vmem>>
      %dma_wait3A_311 = tpu.memref_squeeze %dma_wait3A_310 : memref<1x128x128xf32, #tpu.memory_space<vmem>> -> memref<128x128xf32, #tpu.memory_space<vmem>>
      tpu.wait_dma2 semaphore(%arg12 : memref<!tpu.dma_semaphore, #tpu.memory_space<semaphore_mem>>) src(%dma_wait3A_311 : memref<128x128xf32, #tpu.memory_space<vmem>>) dst(%dma_wait3A_307 : memref<128x128xf32, #tpu.memory_space<hbm>>)
      %add3A_312 = arith.constant 5 : i32
      %add3A_313 = arith.addi %add3A_270, %add3A_312 : i32
      %dma_start3A_314 = arith.constant 0 : i32
      %dma_start3A_315 = arith.constant 0 : i32
      %dma_start3A_316 = arith.constant 0 : i32
      %dma_start3A_317 = tpu.memref_slice %arg6[%dma_start3A_314, %dma_start3A_315, %dma_start3A_316] : memref<5x128x128xf32, #tpu.memory_space<vmem>> -> memref<1x128x128xf32, #tpu.memory_space<vmem>>
      %dma_start3A_318 = tpu.memref_squeeze %dma_start3A_317 : memref<1x128x128xf32, #tpu.memory_space<vmem>> -> memref<128x128xf32, #tpu.memory_space<vmem>>
      %dma_start3A_319 = arith.constant 0 : i32
      %dma_start3A_320 = tpu.memref_slice %arg5[%add3A_313, %dma_start3A_319] : memref<50x128xi32, #tpu.memory_space<vmem>> -> memref<1x128xi32, #tpu.memory_space<vmem>>
      %dma_start3A_321 = tpu.memref_squeeze %dma_start3A_320 : memref<1x128xi32, #tpu.memory_space<vmem>> -> memref<128xi32, #tpu.memory_space<vmem>>
      %dma_start3A_322 = arith.constant 0 : i32
      %dma_start3A_323 = arith.constant 0 : i32
      %dma_start3A_324 = tpu.memref_slice %arg3[%dma_start3A_322, %dma_start3A_323] : memref<100000x128xf32, #tpu.memory_space<hbm>> -> memref<100000x128xf32, #tpu.memory_space<hbm>>
      tpu.enqueue_indirect_dma source(%dma_start3A_324 : memref<100000x128xf32, #tpu.memory_space<hbm>>) target(%dma_start3A_318 : memref<128x128xf32, #tpu.memory_space<vmem>>) offsets(%dma_start3A_321 : memref<128xi32, #tpu.memory_space<vmem>>) semaphore(%arg7 : memref<!tpu.dma_semaphore, #tpu.memory_space<semaphore_mem>>)
      %add3A_325 = arith.constant 1 : i32
      %add3A_326 = arith.addi %mul3A_268, %add3A_325 : i32
      %dma_wait3A_327 = arith.constant 0 : i32
      %dma_wait3A_328 = arith.constant 1 : i32
      %dma_wait3A_329 = arith.constant 0 : i32
      %dma_wait3A_330 = arith.constant 0 : i32
      %dma_wait3A_331 = tpu.memref_slice %arg6[%dma_wait3A_328, %dma_wait3A_329, %dma_wait3A_330] : memref<5x128x128xf32, #tpu.memory_space<vmem>> -> memref<1x128x128xf32, #tpu.memory_space<vmem>>
      %dma_wait3A_332 = tpu.memref_squeeze %dma_wait3A_331 : memref<1x128x128xf32, #tpu.memory_space<vmem>> -> memref<128x128xf32, #tpu.memory_space<vmem>>
      %dma_wait3A_333 = arith.constant 0 : i32
      %dma_wait3A_334 = tpu.memref_slice %arg5[%dma_wait3A_327, %dma_wait3A_333] : memref<50x128xi32, #tpu.memory_space<vmem>> -> memref<1x128xi32, #tpu.memory_space<vmem>>
      %dma_wait3A_335 = tpu.memref_squeeze %dma_wait3A_334 : memref<1x128xi32, #tpu.memory_space<vmem>> -> memref<128xi32, #tpu.memory_space<vmem>>
      %dma_wait3A_336 = arith.constant 0 : i32
      %dma_wait3A_337 = arith.constant 0 : i32
      %dma_wait3A_338 = tpu.memref_slice %arg3[%dma_wait3A_336, %dma_wait3A_337] : memref<100000x128xf32, #tpu.memory_space<hbm>> -> memref<100000x128xf32, #tpu.memory_space<hbm>>
      tpu.wait_indirect_dma semaphore(%arg8 : memref<!tpu.dma_semaphore, #tpu.memory_space<semaphore_mem>>) src(%dma_wait3A_338 : memref<100000x128xf32, #tpu.memory_space<hbm>>) dst(%dma_wait3A_332 : memref<128x128xf32, #tpu.memory_space<vmem>>)
      %mul3A_339 = arith.constant 128 : i32
      %mul3A_340 = arith.muli %add3A_326, %mul3A_339 : i32
      %add3A_341 = arith.addi %mul3A_2, %mul3A_340 : i32
      %dma_start3A_342 = arith.constant 1 : i32
      %dma_start3A_343 = arith.constant 0 : i32
      %dma_start3A_344 = arith.constant 0 : i32
      %dma_start3A_345 = tpu.memref_slice %arg6[%dma_start3A_342, %dma_start3A_343, %dma_start3A_344] : memref<5x128x128xf32, #tpu.memory_space<vmem>> -> memref<1x128x128xf32, #tpu.memory_space<vmem>>
      %dma_start3A_346 = tpu.memref_squeeze %dma_start3A_345 : memref<1x128x128xf32, #tpu.memory_space<vmem>> -> memref<128x128xf32, #tpu.memory_space<vmem>>
      %dma_start3A_347 = arith.constant 0 : i32
      %dma_start3A_348 = tpu.memref_slice %arg4[%add3A_341, %dma_start3A_347] : memref<204800x128xf32, #tpu.memory_space<hbm>> -> memref<128x128xf32, #tpu.memory_space<hbm>>
      %dma_start3A_349 = arith.constant 0 : i32
      %dma_start3A_350 = tpu.memref_slice %arg4[%add3A_341, %dma_start3A_349] : memref<204800x128xf32, #tpu.memory_space<hbm>> -> memref<128x128xf32, #tpu.memory_space<hbm>>
      %dma_start3A_351 = arith.constant 0 : i32
      %dma_start3A_352 = arith.constant 0 : i32
      %dma_start3A_353 = tpu.memref_slice %arg6[%dma_start3A_342, %dma_start3A_351, %dma_start3A_352] : memref<5x128x128xf32, #tpu.memory_space<vmem>> -> memref<1x128x128xf32, #tpu.memory_space<vmem>>
      %dma_start3A_354 = tpu.memref_squeeze %dma_start3A_353 : memref<1x128x128xf32, #tpu.memory_space<vmem>> -> memref<128x128xf32, #tpu.memory_space<vmem>>
      tpu.enqueue_dma source(%dma_start3A_354 : memref<128x128xf32, #tpu.memory_space<vmem>>) target(%dma_start3A_350 : memref<128x128xf32, #tpu.memory_space<hbm>>) target_semaphore(%arg13 : memref<!tpu.dma_semaphore, #tpu.memory_space<semaphore_mem>>)
      %dma_wait3A_355 = arith.constant 1 : i32
      %dma_wait3A_356 = arith.constant 0 : i32
      %dma_wait3A_357 = arith.constant 0 : i32
      %dma_wait3A_358 = tpu.memref_slice %arg6[%dma_wait3A_355, %dma_wait3A_356, %dma_wait3A_357] : memref<5x128x128xf32, #tpu.memory_space<vmem>> -> memref<1x128x128xf32, #tpu.memory_space<vmem>>
      %dma_wait3A_359 = tpu.memref_squeeze %dma_wait3A_358 : memref<1x128x128xf32, #tpu.memory_space<vmem>> -> memref<128x128xf32, #tpu.memory_space<vmem>>
      %dma_wait3A_360 = arith.constant 0 : i32
      %dma_wait3A_361 = tpu.memref_slice %arg4[%mul3A_2, %dma_wait3A_360] : memref<204800x128xf32, #tpu.memory_space<hbm>> -> memref<128x128xf32, #tpu.memory_space<hbm>>
      %dma_wait3A_362 = arith.constant 0 : i32
      %dma_wait3A_363 = tpu.memref_slice %arg4[%mul3A_2, %dma_wait3A_362] : memref<204800x128xf32, #tpu.memory_space<hbm>> -> memref<128x128xf32, #tpu.memory_space<hbm>>
      %dma_wait3A_364 = arith.constant 0 : i32
      %dma_wait3A_365 = arith.constant 0 : i32
      %dma_wait3A_366 = tpu.memref_slice %arg6[%dma_wait3A_355, %dma_wait3A_364, %dma_wait3A_365] : memref<5x128x128xf32, #tpu.memory_space<vmem>> -> memref<1x128x128xf32, #tpu.memory_space<vmem>>
      %dma_wait3A_367 = tpu.memref_squeeze %dma_wait3A_366 : memref<1x128x128xf32, #tpu.memory_space<vmem>> -> memref<128x128xf32, #tpu.memory_space<vmem>>
      tpu.wait_dma2 semaphore(%arg13 : memref<!tpu.dma_semaphore, #tpu.memory_space<semaphore_mem>>) src(%dma_wait3A_367 : memref<128x128xf32, #tpu.memory_space<vmem>>) dst(%dma_wait3A_363 : memref<128x128xf32, #tpu.memory_space<hbm>>)
      %add3A_368 = arith.constant 5 : i32
      %add3A_369 = arith.addi %add3A_326, %add3A_368 : i32
      %dma_start3A_370 = arith.constant 1 : i32
      %dma_start3A_371 = arith.constant 0 : i32
      %dma_start3A_372 = arith.constant 0 : i32
      %dma_start3A_373 = tpu.memref_slice %arg6[%dma_start3A_370, %dma_start3A_371, %dma_start3A_372] : memref<5x128x128xf32, #tpu.memory_space<vmem>> -> memref<1x128x128xf32, #tpu.memory_space<vmem>>
      %dma_start3A_374 = tpu.memref_squeeze %dma_start3A_373 : memref<1x128x128xf32, #tpu.memory_space<vmem>> -> memref<128x128xf32, #tpu.memory_space<vmem>>
      %dma_start3A_375 = arith.constant 0 : i32
      %dma_start3A_376 = tpu.memref_slice %arg5[%add3A_369, %dma_start3A_375] : memref<50x128xi32, #tpu.memory_space<vmem>> -> memref<1x128xi32, #tpu.memory_space<vmem>>
      %dma_start3A_377 = tpu.memref_squeeze %dma_start3A_376 : memref<1x128xi32, #tpu.memory_space<vmem>> -> memref<128xi32, #tpu.memory_space<vmem>>
      %dma_start3A_378 = arith.constant 0 : i32
      %dma_start3A_379 = arith.constant 0 : i32
      %dma_start3A_380 = tpu.memref_slice %arg3[%dma_start3A_378, %dma_start3A_379] : memref<100000x128xf32, #tpu.memory_space<hbm>> -> memref<100000x128xf32, #tpu.memory_space<hbm>>
      tpu.enqueue_indirect_dma source(%dma_start3A_380 : memref<100000x128xf32, #tpu.memory_space<hbm>>) target(%dma_start3A_374 : memref<128x128xf32, #tpu.memory_space<vmem>>) offsets(%dma_start3A_377 : memref<128xi32, #tpu.memory_space<vmem>>) semaphore(%arg8 : memref<!tpu.dma_semaphore, #tpu.memory_space<semaphore_mem>>)
      %add3A_381 = arith.constant 2 : i32
      %add3A_382 = arith.addi %mul3A_268, %add3A_381 : i32
      %dma_wait3A_383 = arith.constant 0 : i32
      %dma_wait3A_384 = arith.constant 2 : i32
      %dma_wait3A_385 = arith.constant 0 : i32
      %dma_wait3A_386 = arith.constant 0 : i32
      %dma_wait3A_387 = tpu.memref_slice %arg6[%dma_wait3A_384, %dma_wait3A_385, %dma_wait3A_386] : memref<5x128x128xf32, #tpu.memory_space<vmem>> -> memref<1x128x128xf32, #tpu.memory_space<vmem>>
      %dma_wait3A_388 = tpu.memref_squeeze %dma_wait3A_387 : memref<1x128x128xf32, #tpu.memory_space<vmem>> -> memref<128x128xf32, #tpu.memory_space<vmem>>
      %dma_wait3A_389 = arith.constant 0 : i32
      %dma_wait3A_390 = tpu.memref_slice %arg5[%dma_wait3A_383, %dma_wait3A_389] : memref<50x128xi32, #tpu.memory_space<vmem>> -> memref<1x128xi32, #tpu.memory_space<vmem>>
      %dma_wait3A_391 = tpu.memref_squeeze %dma_wait3A_390 : memref<1x128xi32, #tpu.memory_space<vmem>> -> memref<128xi32, #tpu.memory_space<vmem>>
      %dma_wait3A_392 = arith.constant 0 : i32
      %dma_wait3A_393 = arith.constant 0 : i32
      %dma_wait3A_394 = tpu.memref_slice %arg3[%dma_wait3A_392, %dma_wait3A_393] : memref<100000x128xf32, #tpu.memory_space<hbm>> -> memref<100000x128xf32, #tpu.memory_space<hbm>>
      tpu.wait_indirect_dma semaphore(%arg9 : memref<!tpu.dma_semaphore, #tpu.memory_space<semaphore_mem>>) src(%dma_wait3A_394 : memref<100000x128xf32, #tpu.memory_space<hbm>>) dst(%dma_wait3A_388 : memref<128x128xf32, #tpu.memory_space<vmem>>)
      %mul3A_395 = arith.constant 128 : i32
      %mul3A_396 = arith.muli %add3A_382, %mul3A_395 : i32
      %add3A_397 = arith.addi %mul3A_2, %mul3A_396 : i32
      %dma_start3A_398 = arith.constant 2 : i32
      %dma_start3A_399 = arith.constant 0 : i32
      %dma_start3A_400 = arith.constant 0 : i32
      %dma_start3A_401 = tpu.memref_slice %arg6[%dma_start3A_398, %dma_start3A_399, %dma_start3A_400] : memref<5x128x128xf32, #tpu.memory_space<vmem>> -> memref<1x128x128xf32, #tpu.memory_space<vmem>>
      %dma_start3A_402 = tpu.memref_squeeze %dma_start3A_401 : memref<1x128x128xf32, #tpu.memory_space<vmem>> -> memref<128x128xf32, #tpu.memory_space<vmem>>
      %dma_start3A_403 = arith.constant 0 : i32
      %dma_start3A_404 = tpu.memref_slice %arg4[%add3A_397, %dma_start3A_403] : memref<204800x128xf32, #tpu.memory_space<hbm>> -> memref<128x128xf32, #tpu.memory_space<hbm>>
      %dma_start3A_405 = arith.constant 0 : i32
      %dma_start3A_406 = tpu.memref_slice %arg4[%add3A_397, %dma_start3A_405] : memref<204800x128xf32, #tpu.memory_space<hbm>> -> memref<128x128xf32, #tpu.memory_space<hbm>>
      %dma_start3A_407 = arith.constant 0 : i32
      %dma_start3A_408 = arith.constant 0 : i32
      %dma_start3A_409 = tpu.memref_slice %arg6[%dma_start3A_398, %dma_start3A_407, %dma_start3A_408] : memref<5x128x128xf32, #tpu.memory_space<vmem>> -> memref<1x128x128xf32, #tpu.memory_space<vmem>>
      %dma_start3A_410 = tpu.memref_squeeze %dma_start3A_409 : memref<1x128x128xf32, #tpu.memory_space<vmem>> -> memref<128x128xf32, #tpu.memory_space<vmem>>
      tpu.enqueue_dma source(%dma_start3A_410 : memref<128x128xf32, #tpu.memory_space<vmem>>) target(%dma_start3A_406 : memref<128x128xf32, #tpu.memory_space<hbm>>) target_semaphore(%arg14 : memref<!tpu.dma_semaphore, #tpu.memory_space<semaphore_mem>>)
      %dma_wait3A_411 = arith.constant 2 : i32
      %dma_wait3A_412 = arith.constant 0 : i32
      %dma_wait3A_413 = arith.constant 0 : i32
      %dma_wait3A_414 = tpu.memref_slice %arg6[%dma_wait3A_411, %dma_wait3A_412, %dma_wait3A_413] : memref<5x128x128xf32, #tpu.memory_space<vmem>> -> memref<1x128x128xf32, #tpu.memory_space<vmem>>
      %dma_wait3A_415 = tpu.memref_squeeze %dma_wait3A_414 : memref<1x128x128xf32, #tpu.memory_space<vmem>> -> memref<128x128xf32, #tpu.memory_space<vmem>>
      %dma_wait3A_416 = arith.constant 0 : i32
      %dma_wait3A_417 = tpu.memref_slice %arg4[%mul3A_2, %dma_wait3A_416] : memref<204800x128xf32, #tpu.memory_space<hbm>> -> memref<128x128xf32, #tpu.memory_space<hbm>>
      %dma_wait3A_418 = arith.constant 0 : i32
      %dma_wait3A_419 = tpu.memref_slice %arg4[%mul3A_2, %dma_wait3A_418] : memref<204800x128xf32, #tpu.memory_space<hbm>> -> memref<128x128xf32, #tpu.memory_space<hbm>>
      %dma_wait3A_420 = arith.constant 0 : i32
      %dma_wait3A_421 = arith.constant 0 : i32
      %dma_wait3A_422 = tpu.memref_slice %arg6[%dma_wait3A_411, %dma_wait3A_420, %dma_wait3A_421] : memref<5x128x128xf32, #tpu.memory_space<vmem>> -> memref<1x128x128xf32, #tpu.memory_space<vmem>>
      %dma_wait3A_423 = tpu.memref_squeeze %dma_wait3A_422 : memref<1x128x128xf32, #tpu.memory_space<vmem>> -> memref<128x128xf32, #tpu.memory_space<vmem>>
      tpu.wait_dma2 semaphore(%arg14 : memref<!tpu.dma_semaphore, #tpu.memory_space<semaphore_mem>>) src(%dma_wait3A_423 : memref<128x128xf32, #tpu.memory_space<vmem>>) dst(%dma_wait3A_419 : memref<128x128xf32, #tpu.memory_space<hbm>>)
      %add3A_424 = arith.constant 5 : i32
      %add3A_425 = arith.addi %add3A_382, %add3A_424 : i32
      %dma_start3A_426 = arith.constant 2 : i32
      %dma_start3A_427 = arith.constant 0 : i32
      %dma_start3A_428 = arith.constant 0 : i32
      %dma_start3A_429 = tpu.memref_slice %arg6[%dma_start3A_426, %dma_start3A_427, %dma_start3A_428] : memref<5x128x128xf32, #tpu.memory_space<vmem>> -> memref<1x128x128xf32, #tpu.memory_space<vmem>>
      %dma_start3A_430 = tpu.memref_squeeze %dma_start3A_429 : memref<1x128x128xf32, #tpu.memory_space<vmem>> -> memref<128x128xf32, #tpu.memory_space<vmem>>
      %dma_start3A_431 = arith.constant 0 : i32
      %dma_start3A_432 = tpu.memref_slice %arg5[%add3A_425, %dma_start3A_431] : memref<50x128xi32, #tpu.memory_space<vmem>> -> memref<1x128xi32, #tpu.memory_space<vmem>>
      %dma_start3A_433 = tpu.memref_squeeze %dma_start3A_432 : memref<1x128xi32, #tpu.memory_space<vmem>> -> memref<128xi32, #tpu.memory_space<vmem>>
      %dma_start3A_434 = arith.constant 0 : i32
      %dma_start3A_435 = arith.constant 0 : i32
      %dma_start3A_436 = tpu.memref_slice %arg3[%dma_start3A_434, %dma_start3A_435] : memref<100000x128xf32, #tpu.memory_space<hbm>> -> memref<100000x128xf32, #tpu.memory_space<hbm>>
      tpu.enqueue_indirect_dma source(%dma_start3A_436 : memref<100000x128xf32, #tpu.memory_space<hbm>>) target(%dma_start3A_430 : memref<128x128xf32, #tpu.memory_space<vmem>>) offsets(%dma_start3A_433 : memref<128xi32, #tpu.memory_space<vmem>>) semaphore(%arg9 : memref<!tpu.dma_semaphore, #tpu.memory_space<semaphore_mem>>)
      %add3A_437 = arith.constant 3 : i32
      %add3A_438 = arith.addi %mul3A_268, %add3A_437 : i32
      %dma_wait3A_439 = arith.constant 0 : i32
      %dma_wait3A_440 = arith.constant 3 : i32
      %dma_wait3A_441 = arith.constant 0 : i32
      %dma_wait3A_442 = arith.constant 0 : i32
      %dma_wait3A_443 = tpu.memref_slice %arg6[%dma_wait3A_440, %dma_wait3A_441, %dma_wait3A_442] : memref<5x128x128xf32, #tpu.memory_space<vmem>> -> memref<1x128x128xf32, #tpu.memory_space<vmem>>
      %dma_wait3A_444 = tpu.memref_squeeze %dma_wait3A_443 : memref<1x128x128xf32, #tpu.memory_space<vmem>> -> memref<128x128xf32, #tpu.memory_space<vmem>>
      %dma_wait3A_445 = arith.constant 0 : i32
      %dma_wait3A_446 = tpu.memref_slice %arg5[%dma_wait3A_439, %dma_wait3A_445] : memref<50x128xi32, #tpu.memory_space<vmem>> -> memref<1x128xi32, #tpu.memory_space<vmem>>
      %dma_wait3A_447 = tpu.memref_squeeze %dma_wait3A_446 : memref<1x128xi32, #tpu.memory_space<vmem>> -> memref<128xi32, #tpu.memory_space<vmem>>
      %dma_wait3A_448 = arith.constant 0 : i32
      %dma_wait3A_449 = arith.constant 0 : i32
      %dma_wait3A_450 = tpu.memref_slice %arg3[%dma_wait3A_448, %dma_wait3A_449] : memref<100000x128xf32, #tpu.memory_space<hbm>> -> memref<100000x128xf32, #tpu.memory_space<hbm>>
      tpu.wait_indirect_dma semaphore(%arg10 : memref<!tpu.dma_semaphore, #tpu.memory_space<semaphore_mem>>) src(%dma_wait3A_450 : memref<100000x128xf32, #tpu.memory_space<hbm>>) dst(%dma_wait3A_444 : memref<128x128xf32, #tpu.memory_space<vmem>>)
      %mul3A_451 = arith.constant 128 : i32
      %mul3A_452 = arith.muli %add3A_438, %mul3A_451 : i32
      %add3A_453 = arith.addi %mul3A_2, %mul3A_452 : i32
      %dma_start3A_454 = arith.constant 3 : i32
      %dma_start3A_455 = arith.constant 0 : i32
      %dma_start3A_456 = arith.constant 0 : i32
      %dma_start3A_457 = tpu.memref_slice %arg6[%dma_start3A_454, %dma_start3A_455, %dma_start3A_456] : memref<5x128x128xf32, #tpu.memory_space<vmem>> -> memref<1x128x128xf32, #tpu.memory_space<vmem>>
      %dma_start3A_458 = tpu.memref_squeeze %dma_start3A_457 : memref<1x128x128xf32, #tpu.memory_space<vmem>> -> memref<128x128xf32, #tpu.memory_space<vmem>>
      %dma_start3A_459 = arith.constant 0 : i32
      %dma_start3A_460 = tpu.memref_slice %arg4[%add3A_453, %dma_start3A_459] : memref<204800x128xf32, #tpu.memory_space<hbm>> -> memref<128x128xf32, #tpu.memory_space<hbm>>
      %dma_start3A_461 = arith.constant 0 : i32
      %dma_start3A_462 = tpu.memref_slice %arg4[%add3A_453, %dma_start3A_461] : memref<204800x128xf32, #tpu.memory_space<hbm>> -> memref<128x128xf32, #tpu.memory_space<hbm>>
      %dma_start3A_463 = arith.constant 0 : i32
      %dma_start3A_464 = arith.constant 0 : i32
      %dma_start3A_465 = tpu.memref_slice %arg6[%dma_start3A_454, %dma_start3A_463, %dma_start3A_464] : memref<5x128x128xf32, #tpu.memory_space<vmem>> -> memref<1x128x128xf32, #tpu.memory_space<vmem>>
      %dma_start3A_466 = tpu.memref_squeeze %dma_start3A_465 : memref<1x128x128xf32, #tpu.memory_space<vmem>> -> memref<128x128xf32, #tpu.memory_space<vmem>>
      tpu.enqueue_dma source(%dma_start3A_466 : memref<128x128xf32, #tpu.memory_space<vmem>>) target(%dma_start3A_462 : memref<128x128xf32, #tpu.memory_space<hbm>>) target_semaphore(%arg15 : memref<!tpu.dma_semaphore, #tpu.memory_space<semaphore_mem>>)
      %dma_wait3A_467 = arith.constant 3 : i32
      %dma_wait3A_468 = arith.constant 0 : i32
      %dma_wait3A_469 = arith.constant 0 : i32
      %dma_wait3A_470 = tpu.memref_slice %arg6[%dma_wait3A_467, %dma_wait3A_468, %dma_wait3A_469] : memref<5x128x128xf32, #tpu.memory_space<vmem>> -> memref<1x128x128xf32, #tpu.memory_space<vmem>>
      %dma_wait3A_471 = tpu.memref_squeeze %dma_wait3A_470 : memref<1x128x128xf32, #tpu.memory_space<vmem>> -> memref<128x128xf32, #tpu.memory_space<vmem>>
      %dma_wait3A_472 = arith.constant 0 : i32
      %dma_wait3A_473 = tpu.memref_slice %arg4[%mul3A_2, %dma_wait3A_472] : memref<204800x128xf32, #tpu.memory_space<hbm>> -> memref<128x128xf32, #tpu.memory_space<hbm>>
      %dma_wait3A_474 = arith.constant 0 : i32
      %dma_wait3A_475 = tpu.memref_slice %arg4[%mul3A_2, %dma_wait3A_474] : memref<204800x128xf32, #tpu.memory_space<hbm>> -> memref<128x128xf32, #tpu.memory_space<hbm>>
      %dma_wait3A_476 = arith.constant 0 : i32
      %dma_wait3A_477 = arith.constant 0 : i32
      %dma_wait3A_478 = tpu.memref_slice %arg6[%dma_wait3A_467, %dma_wait3A_476, %dma_wait3A_477] : memref<5x128x128xf32, #tpu.memory_space<vmem>> -> memref<1x128x128xf32, #tpu.memory_space<vmem>>
      %dma_wait3A_479 = tpu.memref_squeeze %dma_wait3A_478 : memref<1x128x128xf32, #tpu.memory_space<vmem>> -> memref<128x128xf32, #tpu.memory_space<vmem>>
      tpu.wait_dma2 semaphore(%arg15 : memref<!tpu.dma_semaphore, #tpu.memory_space<semaphore_mem>>) src(%dma_wait3A_479 : memref<128x128xf32, #tpu.memory_space<vmem>>) dst(%dma_wait3A_475 : memref<128x128xf32, #tpu.memory_space<hbm>>)
      %add3A_480 = arith.constant 5 : i32
      %add3A_481 = arith.addi %add3A_438, %add3A_480 : i32
      %dma_start3A_482 = arith.constant 3 : i32
      %dma_start3A_483 = arith.constant 0 : i32
      %dma_start3A_484 = arith.constant 0 : i32
      %dma_start3A_485 = tpu.memref_slice %arg6[%dma_start3A_482, %dma_start3A_483, %dma_start3A_484] : memref<5x128x128xf32, #tpu.memory_space<vmem>> -> memref<1x128x128xf32, #tpu.memory_space<vmem>>
      %dma_start3A_486 = tpu.memref_squeeze %dma_start3A_485 : memref<1x128x128xf32, #tpu.memory_space<vmem>> -> memref<128x128xf32, #tpu.memory_space<vmem>>
      %dma_start3A_487 = arith.constant 0 : i32
      %dma_start3A_488 = tpu.memref_slice %arg5[%add3A_481, %dma_start3A_487] : memref<50x128xi32, #tpu.memory_space<vmem>> -> memref<1x128xi32, #tpu.memory_space<vmem>>
      %dma_start3A_489 = tpu.memref_squeeze %dma_start3A_488 : memref<1x128xi32, #tpu.memory_space<vmem>> -> memref<128xi32, #tpu.memory_space<vmem>>
      %dma_start3A_490 = arith.constant 0 : i32
      %dma_start3A_491 = arith.constant 0 : i32
      %dma_start3A_492 = tpu.memref_slice %arg3[%dma_start3A_490, %dma_start3A_491] : memref<100000x128xf32, #tpu.memory_space<hbm>> -> memref<100000x128xf32, #tpu.memory_space<hbm>>
      tpu.enqueue_indirect_dma source(%dma_start3A_492 : memref<100000x128xf32, #tpu.memory_space<hbm>>) target(%dma_start3A_486 : memref<128x128xf32, #tpu.memory_space<vmem>>) offsets(%dma_start3A_489 : memref<128xi32, #tpu.memory_space<vmem>>) semaphore(%arg10 : memref<!tpu.dma_semaphore, #tpu.memory_space<semaphore_mem>>)
      %add3A_493 = arith.constant 4 : i32
      %add3A_494 = arith.addi %mul3A_268, %add3A_493 : i32
      %dma_wait3A_495 = arith.constant 0 : i32
      %dma_wait3A_496 = arith.constant 4 : i32
      %dma_wait3A_497 = arith.constant 0 : i32
      %dma_wait3A_498 = arith.constant 0 : i32
      %dma_wait3A_499 = tpu.memref_slice %arg6[%dma_wait3A_496, %dma_wait3A_497, %dma_wait3A_498] : memref<5x128x128xf32, #tpu.memory_space<vmem>> -> memref<1x128x128xf32, #tpu.memory_space<vmem>>
      %dma_wait3A_500 = tpu.memref_squeeze %dma_wait3A_499 : memref<1x128x128xf32, #tpu.memory_space<vmem>> -> memref<128x128xf32, #tpu.memory_space<vmem>>
      %dma_wait3A_501 = arith.constant 0 : i32
      %dma_wait3A_502 = tpu.memref_slice %arg5[%dma_wait3A_495, %dma_wait3A_501] : memref<50x128xi32, #tpu.memory_space<vmem>> -> memref<1x128xi32, #tpu.memory_space<vmem>>
      %dma_wait3A_503 = tpu.memref_squeeze %dma_wait3A_502 : memref<1x128xi32, #tpu.memory_space<vmem>> -> memref<128xi32, #tpu.memory_space<vmem>>
      %dma_wait3A_504 = arith.constant 0 : i32
      %dma_wait3A_505 = arith.constant 0 : i32
      %dma_wait3A_506 = tpu.memref_slice %arg3[%dma_wait3A_504, %dma_wait3A_505] : memref<100000x128xf32, #tpu.memory_space<hbm>> -> memref<100000x128xf32, #tpu.memory_space<hbm>>
      tpu.wait_indirect_dma semaphore(%arg11 : memref<!tpu.dma_semaphore, #tpu.memory_space<semaphore_mem>>) src(%dma_wait3A_506 : memref<100000x128xf32, #tpu.memory_space<hbm>>) dst(%dma_wait3A_500 : memref<128x128xf32, #tpu.memory_space<vmem>>)
      %mul3A_507 = arith.constant 128 : i32
      %mul3A_508 = arith.muli %add3A_494, %mul3A_507 : i32
      %add3A_509 = arith.addi %mul3A_2, %mul3A_508 : i32
      %dma_start3A_510 = arith.constant 4 : i32
      %dma_start3A_511 = arith.constant 0 : i32
      %dma_start3A_512 = arith.constant 0 : i32
      %dma_start3A_513 = tpu.memref_slice %arg6[%dma_start3A_510, %dma_start3A_511, %dma_start3A_512] : memref<5x128x128xf32, #tpu.memory_space<vmem>> -> memref<1x128x128xf32, #tpu.memory_space<vmem>>
      %dma_start3A_514 = tpu.memref_squeeze %dma_start3A_513 : memref<1x128x128xf32, #tpu.memory_space<vmem>> -> memref<128x128xf32, #tpu.memory_space<vmem>>
      %dma_start3A_515 = arith.constant 0 : i32
      %dma_start3A_516 = tpu.memref_slice %arg4[%add3A_509, %dma_start3A_515] : memref<204800x128xf32, #tpu.memory_space<hbm>> -> memref<128x128xf32, #tpu.memory_space<hbm>>
      %dma_start3A_517 = arith.constant 0 : i32
      %dma_start3A_518 = tpu.memref_slice %arg4[%add3A_509, %dma_start3A_517] : memref<204800x128xf32, #tpu.memory_space<hbm>> -> memref<128x128xf32, #tpu.memory_space<hbm>>
      %dma_start3A_519 = arith.constant 0 : i32
      %dma_start3A_520 = arith.constant 0 : i32
      %dma_start3A_521 = tpu.memref_slice %arg6[%dma_start3A_510, %dma_start3A_519, %dma_start3A_520] : memref<5x128x128xf32, #tpu.memory_space<vmem>> -> memref<1x128x128xf32, #tpu.memory_space<vmem>>
      %dma_start3A_522 = tpu.memref_squeeze %dma_start3A_521 : memref<1x128x128xf32, #tpu.memory_space<vmem>> -> memref<128x128xf32, #tpu.memory_space<vmem>>
      tpu.enqueue_dma source(%dma_start3A_522 : memref<128x128xf32, #tpu.memory_space<vmem>>) target(%dma_start3A_518 : memref<128x128xf32, #tpu.memory_space<hbm>>) target_semaphore(%arg16 : memref<!tpu.dma_semaphore, #tpu.memory_space<semaphore_mem>>)
      %dma_wait3A_523 = arith.constant 4 : i32
      %dma_wait3A_524 = arith.constant 0 : i32
      %dma_wait3A_525 = arith.constant 0 : i32
      %dma_wait3A_526 = tpu.memref_slice %arg6[%dma_wait3A_523, %dma_wait3A_524, %dma_wait3A_525] : memref<5x128x128xf32, #tpu.memory_space<vmem>> -> memref<1x128x128xf32, #tpu.memory_space<vmem>>
      %dma_wait3A_527 = tpu.memref_squeeze %dma_wait3A_526 : memref<1x128x128xf32, #tpu.memory_space<vmem>> -> memref<128x128xf32, #tpu.memory_space<vmem>>
      %dma_wait3A_528 = arith.constant 0 : i32
      %dma_wait3A_529 = tpu.memref_slice %arg4[%mul3A_2, %dma_wait3A_528] : memref<204800x128xf32, #tpu.memory_space<hbm>> -> memref<128x128xf32, #tpu.memory_space<hbm>>
      %dma_wait3A_530 = arith.constant 0 : i32
      %dma_wait3A_531 = tpu.memref_slice %arg4[%mul3A_2, %dma_wait3A_530] : memref<204800x128xf32, #tpu.memory_space<hbm>> -> memref<128x128xf32, #tpu.memory_space<hbm>>
      %dma_wait3A_532 = arith.constant 0 : i32
      %dma_wait3A_533 = arith.constant 0 : i32
      %dma_wait3A_534 = tpu.memref_slice %arg6[%dma_wait3A_523, %dma_wait3A_532, %dma_wait3A_533] : memref<5x128x128xf32, #tpu.memory_space<vmem>> -> memref<1x128x128xf32, #tpu.memory_space<vmem>>
      %dma_wait3A_535 = tpu.memref_squeeze %dma_wait3A_534 : memref<1x128x128xf32, #tpu.memory_space<vmem>> -> memref<128x128xf32, #tpu.memory_space<vmem>>
      tpu.wait_dma2 semaphore(%arg16 : memref<!tpu.dma_semaphore, #tpu.memory_space<semaphore_mem>>) src(%dma_wait3A_535 : memref<128x128xf32, #tpu.memory_space<vmem>>) dst(%dma_wait3A_531 : memref<128x128xf32, #tpu.memory_space<hbm>>)
      %add3A_536 = arith.constant 5 : i32
      %add3A_537 = arith.addi %add3A_494, %add3A_536 : i32
      %dma_start3A_538 = arith.constant 4 : i32
      %dma_start3A_539 = arith.constant 0 : i32
      %dma_start3A_540 = arith.constant 0 : i32
      %dma_start3A_541 = tpu.memref_slice %arg6[%dma_start3A_538, %dma_start3A_539, %dma_start3A_540] : memref<5x128x128xf32, #tpu.memory_space<vmem>> -> memref<1x128x128xf32, #tpu.memory_space<vmem>>
      %dma_start3A_542 = tpu.memref_squeeze %dma_start3A_541 : memref<1x128x128xf32, #tpu.memory_space<vmem>> -> memref<128x128xf32, #tpu.memory_space<vmem>>
      %dma_start3A_543 = arith.constant 0 : i32
      %dma_start3A_544 = tpu.memref_slice %arg5[%add3A_537, %dma_start3A_543] : memref<50x128xi32, #tpu.memory_space<vmem>> -> memref<1x128xi32, #tpu.memory_space<vmem>>
      %dma_start3A_545 = tpu.memref_squeeze %dma_start3A_544 : memref<1x128xi32, #tpu.memory_space<vmem>> -> memref<128xi32, #tpu.memory_space<vmem>>
      %dma_start3A_546 = arith.constant 0 : i32
      %dma_start3A_547 = arith.constant 0 : i32
      %dma_start3A_548 = tpu.memref_slice %arg3[%dma_start3A_546, %dma_start3A_547] : memref<100000x128xf32, #tpu.memory_space<hbm>> -> memref<100000x128xf32, #tpu.memory_space<hbm>>
      tpu.enqueue_indirect_dma source(%dma_start3A_548 : memref<100000x128xf32, #tpu.memory_space<hbm>>) target(%dma_start3A_542 : memref<128x128xf32, #tpu.memory_space<vmem>>) offsets(%dma_start3A_545 : memref<128xi32, #tpu.memory_space<vmem>>) semaphore(%arg11 : memref<!tpu.dma_semaphore, #tpu.memory_space<semaphore_mem>>)
    }
    %scan3A_66 = arith.constant 9 : i32
    %dma_wait3A = arith.constant 0 : i32
    %dma_wait3A_67 = arith.constant 0 : i32
    %dma_wait3A_68 = arith.constant 0 : i32
    %dma_wait3A_69 = arith.constant 0 : i32
    %dma_wait3A_70 = tpu.memref_slice %arg6[%dma_wait3A_67, %dma_wait3A_68, %dma_wait3A_69] : memref<5x128x128xf32, #tpu.memory_space<vmem>> -> memref<1x128x128xf32, #tpu.memory_space<vmem>>
    %dma_wait3A_71 = tpu.memref_squeeze %dma_wait3A_70 : memref<1x128x128xf32, #tpu.memory_space<vmem>> -> memref<128x128xf32, #tpu.memory_space<vmem>>
    %dma_wait3A_72 = arith.constant 0 : i32
    %dma_wait3A_73 = tpu.memref_slice %arg5[%dma_wait3A, %dma_wait3A_72] : memref<50x128xi32, #tpu.memory_space<vmem>> -> memref<1x128xi32, #tpu.memory_space<vmem>>
    %dma_wait3A_74 = tpu.memref_squeeze %dma_wait3A_73 : memref<1x128xi32, #tpu.memory_space<vmem>> -> memref<128xi32, #tpu.memory_space<vmem>>
    %dma_wait3A_75 = arith.constant 0 : i32
    %dma_wait3A_76 = arith.constant 0 : i32
    %dma_wait3A_77 = tpu.memref_slice %arg3[%dma_wait3A_75, %dma_wait3A_76] : memref<100000x128xf32, #tpu.memory_space<hbm>> -> memref<100000x128xf32, #tpu.memory_space<hbm>>
    tpu.wait_indirect_dma semaphore(%arg7 : memref<!tpu.dma_semaphore, #tpu.memory_space<semaphore_mem>>) src(%dma_wait3A_77 : memref<100000x128xf32, #tpu.memory_space<hbm>>) dst(%dma_wait3A_71 : memref<128x128xf32, #tpu.memory_space<vmem>>)
    %add3A_78 = arith.constant 5760 : i32
    %add3A_79 = arith.addi %mul3A_2, %add3A_78 : i32
    %dma_start3A_80 = arith.constant 0 : i32
    %dma_start3A_81 = arith.constant 0 : i32
    %dma_start3A_82 = arith.constant 0 : i32
    %dma_start3A_83 = tpu.memref_slice %arg6[%dma_start3A_80, %dma_start3A_81, %dma_start3A_82] : memref<5x128x128xf32, #tpu.memory_space<vmem>> -> memref<1x128x128xf32, #tpu.memory_space<vmem>>
    %dma_start3A_84 = tpu.memref_squeeze %dma_start3A_83 : memref<1x128x128xf32, #tpu.memory_space<vmem>> -> memref<128x128xf32, #tpu.memory_space<vmem>>
    %dma_start3A_85 = arith.constant 0 : i32
    %dma_start3A_86 = tpu.memref_slice %arg4[%add3A_79, %dma_start3A_85] : memref<204800x128xf32, #tpu.memory_space<hbm>> -> memref<128x128xf32, #tpu.memory_space<hbm>>
    %dma_start3A_87 = arith.constant 0 : i32
    %dma_start3A_88 = tpu.memref_slice %arg4[%add3A_79, %dma_start3A_87] : memref<204800x128xf32, #tpu.memory_space<hbm>> -> memref<128x128xf32, #tpu.memory_space<hbm>>
    %dma_start3A_89 = arith.constant 0 : i32
    %dma_start3A_90 = arith.constant 0 : i32
    %dma_start3A_91 = tpu.memref_slice %arg6[%dma_start3A_80, %dma_start3A_89, %dma_start3A_90] : memref<5x128x128xf32, #tpu.memory_space<vmem>> -> memref<1x128x128xf32, #tpu.memory_space<vmem>>
    %dma_start3A_92 = tpu.memref_squeeze %dma_start3A_91 : memref<1x128x128xf32, #tpu.memory_space<vmem>> -> memref<128x128xf32, #tpu.memory_space<vmem>>
    tpu.enqueue_dma source(%dma_start3A_92 : memref<128x128xf32, #tpu.memory_space<vmem>>) target(%dma_start3A_88 : memref<128x128xf32, #tpu.memory_space<hbm>>) target_semaphore(%arg12 : memref<!tpu.dma_semaphore, #tpu.memory_space<semaphore_mem>>)
    %dma_wait3A_93 = arith.constant 0 : i32
    %dma_wait3A_94 = arith.constant 1 : i32
    %dma_wait3A_95 = arith.constant 0 : i32
    %dma_wait3A_96 = arith.constant 0 : i32
    %dma_wait3A_97 = tpu.memref_slice %arg6[%dma_wait3A_94, %dma_wait3A_95, %dma_wait3A_96] : memref<5x128x128xf32, #tpu.memory_space<vmem>> -> memref<1x128x128xf32, #tpu.memory_space<vmem>>
    %dma_wait3A_98 = tpu.memref_squeeze %dma_wait3A_97 : memref<1x128x128xf32, #tpu.memory_space<vmem>> -> memref<128x128xf32, #tpu.memory_space<vmem>>
    %dma_wait3A_99 = arith.constant 0 : i32
    %dma_wait3A_100 = tpu.memref_slice %arg5[%dma_wait3A_93, %dma_wait3A_99] : memref<50x128xi32, #tpu.memory_space<vmem>> -> memref<1x128xi32, #tpu.memory_space<vmem>>
    %dma_wait3A_101 = tpu.memref_squeeze %dma_wait3A_100 : memref<1x128xi32, #tpu.memory_space<vmem>> -> memref<128xi32, #tpu.memory_space<vmem>>
    %dma_wait3A_102 = arith.constant 0 : i32
    %dma_wait3A_103 = arith.constant 0 : i32
    %dma_wait3A_104 = tpu.memref_slice %arg3[%dma_wait3A_102, %dma_wait3A_103] : memref<100000x128xf32, #tpu.memory_space<hbm>> -> memref<100000x128xf32, #tpu.memory_space<hbm>>
    tpu.wait_indirect_dma semaphore(%arg8 : memref<!tpu.dma_semaphore, #tpu.memory_space<semaphore_mem>>) src(%dma_wait3A_104 : memref<100000x128xf32, #tpu.memory_space<hbm>>) dst(%dma_wait3A_98 : memref<128x128xf32, #tpu.memory_space<vmem>>)
    %add3A_105 = arith.constant 5888 : i32
    %add3A_106 = arith.addi %mul3A_2, %add3A_105 : i32
    %dma_start3A_107 = arith.constant 1 : i32
    %dma_start3A_108 = arith.constant 0 : i32
    %dma_start3A_109 = arith.constant 0 : i32
    %dma_start3A_110 = tpu.memref_slice %arg6[%dma_start3A_107, %dma_start3A_108, %dma_start3A_109] : memref<5x128x128xf32, #tpu.memory_space<vmem>> -> memref<1x128x128xf32, #tpu.memory_space<vmem>>
    %dma_start3A_111 = tpu.memref_squeeze %dma_start3A_110 : memref<1x128x128xf32, #tpu.memory_space<vmem>> -> memref<128x128xf32, #tpu.memory_space<vmem>>
    %dma_start3A_112 = arith.constant 0 : i32
    %dma_start3A_113 = tpu.memref_slice %arg4[%add3A_106, %dma_start3A_112] : memref<204800x128xf32, #tpu.memory_space<hbm>> -> memref<128x128xf32, #tpu.memory_space<hbm>>
    %dma_start3A_114 = arith.constant 0 : i32
    %dma_start3A_115 = tpu.memref_slice %arg4[%add3A_106, %dma_start3A_114] : memref<204800x128xf32, #tpu.memory_space<hbm>> -> memref<128x128xf32, #tpu.memory_space<hbm>>
    %dma_start3A_116 = arith.constant 0 : i32
    %dma_start3A_117 = arith.constant 0 : i32
    %dma_start3A_118 = tpu.memref_slice %arg6[%dma_start3A_107, %dma_start3A_116, %dma_start3A_117] : memref<5x128x128xf32, #tpu.memory_space<vmem>> -> memref<1x128x128xf32, #tpu.memory_space<vmem>>
    %dma_start3A_119 = tpu.memref_squeeze %dma_start3A_118 : memref<1x128x128xf32, #tpu.memory_space<vmem>> -> memref<128x128xf32, #tpu.memory_space<vmem>>
    tpu.enqueue_dma source(%dma_start3A_119 : memref<128x128xf32, #tpu.memory_space<vmem>>) target(%dma_start3A_115 : memref<128x128xf32, #tpu.memory_space<hbm>>) target_semaphore(%arg13 : memref<!tpu.dma_semaphore, #tpu.memory_space<semaphore_mem>>)
    %dma_wait3A_120 = arith.constant 0 : i32
    %dma_wait3A_121 = arith.constant 2 : i32
    %dma_wait3A_122 = arith.constant 0 : i32
    %dma_wait3A_123 = arith.constant 0 : i32
    %dma_wait3A_124 = tpu.memref_slice %arg6[%dma_wait3A_121, %dma_wait3A_122, %dma_wait3A_123] : memref<5x128x128xf32, #tpu.memory_space<vmem>> -> memref<1x128x128xf32, #tpu.memory_space<vmem>>
    %dma_wait3A_125 = tpu.memref_squeeze %dma_wait3A_124 : memref<1x128x128xf32, #tpu.memory_space<vmem>> -> memref<128x128xf32, #tpu.memory_space<vmem>>
    %dma_wait3A_126 = arith.constant 0 : i32
    %dma_wait3A_127 = tpu.memref_slice %arg5[%dma_wait3A_120, %dma_wait3A_126] : memref<50x128xi32, #tpu.memory_space<vmem>> -> memref<1x128xi32, #tpu.memory_space<vmem>>
    %dma_wait3A_128 = tpu.memref_squeeze %dma_wait3A_127 : memref<1x128xi32, #tpu.memory_space<vmem>> -> memref<128xi32, #tpu.memory_space<vmem>>
    %dma_wait3A_129 = arith.constant 0 : i32
    %dma_wait3A_130 = arith.constant 0 : i32
    %dma_wait3A_131 = tpu.memref_slice %arg3[%dma_wait3A_129, %dma_wait3A_130] : memref<100000x128xf32, #tpu.memory_space<hbm>> -> memref<100000x128xf32, #tpu.memory_space<hbm>>
    tpu.wait_indirect_dma semaphore(%arg9 : memref<!tpu.dma_semaphore, #tpu.memory_space<semaphore_mem>>) src(%dma_wait3A_131 : memref<100000x128xf32, #tpu.memory_space<hbm>>) dst(%dma_wait3A_125 : memref<128x128xf32, #tpu.memory_space<vmem>>)
    %add3A_132 = arith.constant 6016 : i32
    %add3A_133 = arith.addi %mul3A_2, %add3A_132 : i32
    %dma_start3A_134 = arith.constant 2 : i32
    %dma_start3A_135 = arith.constant 0 : i32
    %dma_start3A_136 = arith.constant 0 : i32
    %dma_start3A_137 = tpu.memref_slice %arg6[%dma_start3A_134, %dma_start3A_135, %dma_start3A_136] : memref<5x128x128xf32, #tpu.memory_space<vmem>> -> memref<1x128x128xf32, #tpu.memory_space<vmem>>
    %dma_start3A_138 = tpu.memref_squeeze %dma_start3A_137 : memref<1x128x128xf32, #tpu.memory_space<vmem>> -> memref<128x128xf32, #tpu.memory_space<vmem>>
    %dma_start3A_139 = arith.constant 0 : i32
    %dma_start3A_140 = tpu.memref_slice %arg4[%add3A_133, %dma_start3A_139] : memref<204800x128xf32, #tpu.memory_space<hbm>> -> memref<128x128xf32, #tpu.memory_space<hbm>>
    %dma_start3A_141 = arith.constant 0 : i32
    %dma_start3A_142 = tpu.memref_slice %arg4[%add3A_133, %dma_start3A_141] : memref<204800x128xf32, #tpu.memory_space<hbm>> -> memref<128x128xf32, #tpu.memory_space<hbm>>
    %dma_start3A_143 = arith.constant 0 : i32
    %dma_start3A_144 = arith.constant 0 : i32
    %dma_start3A_145 = tpu.memref_slice %arg6[%dma_start3A_134, %dma_start3A_143, %dma_start3A_144] : memref<5x128x128xf32, #tpu.memory_space<vmem>> -> memref<1x128x128xf32, #tpu.memory_space<vmem>>
    %dma_start3A_146 = tpu.memref_squeeze %dma_start3A_145 : memref<1x128x128xf32, #tpu.memory_space<vmem>> -> memref<128x128xf32, #tpu.memory_space<vmem>>
    tpu.enqueue_dma source(%dma_start3A_146 : memref<128x128xf32, #tpu.memory_space<vmem>>) target(%dma_start3A_142 : memref<128x128xf32, #tpu.memory_space<hbm>>) target_semaphore(%arg14 : memref<!tpu.dma_semaphore, #tpu.memory_space<semaphore_mem>>)
    %dma_wait3A_147 = arith.constant 0 : i32
    %dma_wait3A_148 = arith.constant 3 : i32
    %dma_wait3A_149 = arith.constant 0 : i32
    %dma_wait3A_150 = arith.constant 0 : i32
    %dma_wait3A_151 = tpu.memref_slice %arg6[%dma_wait3A_148, %dma_wait3A_149, %dma_wait3A_150] : memref<5x128x128xf32, #tpu.memory_space<vmem>> -> memref<1x128x128xf32, #tpu.memory_space<vmem>>
    %dma_wait3A_152 = tpu.memref_squeeze %dma_wait3A_151 : memref<1x128x128xf32, #tpu.memory_space<vmem>> -> memref<128x128xf32, #tpu.memory_space<vmem>>
    %dma_wait3A_153 = arith.constant 0 : i32
    %dma_wait3A_154 = tpu.memref_slice %arg5[%dma_wait3A_147, %dma_wait3A_153] : memref<50x128xi32, #tpu.memory_space<vmem>> -> memref<1x128xi32, #tpu.memory_space<vmem>>
    %dma_wait3A_155 = tpu.memref_squeeze %dma_wait3A_154 : memref<1x128xi32, #tpu.memory_space<vmem>> -> memref<128xi32, #tpu.memory_space<vmem>>
    %dma_wait3A_156 = arith.constant 0 : i32
    %dma_wait3A_157 = arith.constant 0 : i32
    %dma_wait3A_158 = tpu.memref_slice %arg3[%dma_wait3A_156, %dma_wait3A_157] : memref<100000x128xf32, #tpu.memory_space<hbm>> -> memref<100000x128xf32, #tpu.memory_space<hbm>>
    tpu.wait_indirect_dma semaphore(%arg10 : memref<!tpu.dma_semaphore, #tpu.memory_space<semaphore_mem>>) src(%dma_wait3A_158 : memref<100000x128xf32, #tpu.memory_space<hbm>>) dst(%dma_wait3A_152 : memref<128x128xf32, #tpu.memory_space<vmem>>)
    %add3A_159 = arith.constant 6144 : i32
    %add3A_160 = arith.addi %mul3A_2, %add3A_159 : i32
    %dma_start3A_161 = arith.constant 3 : i32
    %dma_start3A_162 = arith.constant 0 : i32
    %dma_start3A_163 = arith.constant 0 : i32
    %dma_start3A_164 = tpu.memref_slice %arg6[%dma_start3A_161, %dma_start3A_162, %dma_start3A_163] : memref<5x128x128xf32, #tpu.memory_space<vmem>> -> memref<1x128x128xf32, #tpu.memory_space<vmem>>
    %dma_start3A_165 = tpu.memref_squeeze %dma_start3A_164 : memref<1x128x128xf32, #tpu.memory_space<vmem>> -> memref<128x128xf32, #tpu.memory_space<vmem>>
    %dma_start3A_166 = arith.constant 0 : i32
    %dma_start3A_167 = tpu.memref_slice %arg4[%add3A_160, %dma_start3A_166] : memref<204800x128xf32, #tpu.memory_space<hbm>> -> memref<128x128xf32, #tpu.memory_space<hbm>>
    %dma_start3A_168 = arith.constant 0 : i32
    %dma_start3A_169 = tpu.memref_slice %arg4[%add3A_160, %dma_start3A_168] : memref<204800x128xf32, #tpu.memory_space<hbm>> -> memref<128x128xf32, #tpu.memory_space<hbm>>
    %dma_start3A_170 = arith.constant 0 : i32
    %dma_start3A_171 = arith.constant 0 : i32
    %dma_start3A_172 = tpu.memref_slice %arg6[%dma_start3A_161, %dma_start3A_170, %dma_start3A_171] : memref<5x128x128xf32, #tpu.memory_space<vmem>> -> memref<1x128x128xf32, #tpu.memory_space<vmem>>
    %dma_start3A_173 = tpu.memref_squeeze %dma_start3A_172 : memref<1x128x128xf32, #tpu.memory_space<vmem>> -> memref<128x128xf32, #tpu.memory_space<vmem>>
    tpu.enqueue_dma source(%dma_start3A_173 : memref<128x128xf32, #tpu.memory_space<vmem>>) target(%dma_start3A_169 : memref<128x128xf32, #tpu.memory_space<hbm>>) target_semaphore(%arg15 : memref<!tpu.dma_semaphore, #tpu.memory_space<semaphore_mem>>)
    %dma_wait3A_174 = arith.constant 0 : i32
    %dma_wait3A_175 = arith.constant 4 : i32
    %dma_wait3A_176 = arith.constant 0 : i32
    %dma_wait3A_177 = arith.constant 0 : i32
    %dma_wait3A_178 = tpu.memref_slice %arg6[%dma_wait3A_175, %dma_wait3A_176, %dma_wait3A_177] : memref<5x128x128xf32, #tpu.memory_space<vmem>> -> memref<1x128x128xf32, #tpu.memory_space<vmem>>
    %dma_wait3A_179 = tpu.memref_squeeze %dma_wait3A_178 : memref<1x128x128xf32, #tpu.memory_space<vmem>> -> memref<128x128xf32, #tpu.memory_space<vmem>>
    %dma_wait3A_180 = arith.constant 0 : i32
    %dma_wait3A_181 = tpu.memref_slice %arg5[%dma_wait3A_174, %dma_wait3A_180] : memref<50x128xi32, #tpu.memory_space<vmem>> -> memref<1x128xi32, #tpu.memory_space<vmem>>
    %dma_wait3A_182 = tpu.memref_squeeze %dma_wait3A_181 : memref<1x128xi32, #tpu.memory_space<vmem>> -> memref<128xi32, #tpu.memory_space<vmem>>
    %dma_wait3A_183 = arith.constant 0 : i32
    %dma_wait3A_184 = arith.constant 0 : i32
    %dma_wait3A_185 = tpu.memref_slice %arg3[%dma_wait3A_183, %dma_wait3A_184] : memref<100000x128xf32, #tpu.memory_space<hbm>> -> memref<100000x128xf32, #tpu.memory_space<hbm>>
    tpu.wait_indirect_dma semaphore(%arg11 : memref<!tpu.dma_semaphore, #tpu.memory_space<semaphore_mem>>) src(%dma_wait3A_185 : memref<100000x128xf32, #tpu.memory_space<hbm>>) dst(%dma_wait3A_179 : memref<128x128xf32, #tpu.memory_space<vmem>>)
    %add3A_186 = arith.constant 6272 : i32
    %add3A_187 = arith.addi %mul3A_2, %add3A_186 : i32
    %dma_start3A_188 = arith.constant 4 : i32
    %dma_start3A_189 = arith.constant 0 : i32
    %dma_start3A_190 = arith.constant 0 : i32
    %dma_start3A_191 = tpu.memref_slice %arg6[%dma_start3A_188, %dma_start3A_189, %dma_start3A_190] : memref<5x128x128xf32, #tpu.memory_space<vmem>> -> memref<1x128x128xf32, #tpu.memory_space<vmem>>
    %dma_start3A_192 = tpu.memref_squeeze %dma_start3A_191 : memref<1x128x128xf32, #tpu.memory_space<vmem>> -> memref<128x128xf32, #tpu.memory_space<vmem>>
    %dma_start3A_193 = arith.constant 0 : i32
    %dma_start3A_194 = tpu.memref_slice %arg4[%add3A_187, %dma_start3A_193] : memref<204800x128xf32, #tpu.memory_space<hbm>> -> memref<128x128xf32, #tpu.memory_space<hbm>>
    %dma_start3A_195 = arith.constant 0 : i32
    %dma_start3A_196 = tpu.memref_slice %arg4[%add3A_187, %dma_start3A_195] : memref<204800x128xf32, #tpu.memory_space<hbm>> -> memref<128x128xf32, #tpu.memory_space<hbm>>
    %dma_start3A_197 = arith.constant 0 : i32
    %dma_start3A_198 = arith.constant 0 : i32
    %dma_start3A_199 = tpu.memref_slice %arg6[%dma_start3A_188, %dma_start3A_197, %dma_start3A_198] : memref<5x128x128xf32, #tpu.memory_space<vmem>> -> memref<1x128x128xf32, #tpu.memory_space<vmem>>
    %dma_start3A_200 = tpu.memref_squeeze %dma_start3A_199 : memref<1x128x128xf32, #tpu.memory_space<vmem>> -> memref<128x128xf32, #tpu.memory_space<vmem>>
    tpu.enqueue_dma source(%dma_start3A_200 : memref<128x128xf32, #tpu.memory_space<vmem>>) target(%dma_start3A_196 : memref<128x128xf32, #tpu.memory_space<hbm>>) target_semaphore(%arg16 : memref<!tpu.dma_semaphore, #tpu.memory_space<semaphore_mem>>)
    %dma_wait3A_201 = arith.constant 0 : i32
    %dma_wait3A_202 = arith.constant 0 : i32
    %dma_wait3A_203 = arith.constant 0 : i32
    %dma_wait3A_204 = tpu.memref_slice %arg6[%dma_wait3A_201, %dma_wait3A_202, %dma_wait3A_203] : memref<5x128x128xf32, #tpu.memory_space<vmem>> -> memref<1x128x128xf32, #tpu.memory_space<vmem>>
    %dma_wait3A_205 = tpu.memref_squeeze %dma_wait3A_204 : memref<1x128x128xf32, #tpu.memory_space<vmem>> -> memref<128x128xf32, #tpu.memory_space<vmem>>
    %dma_wait3A_206 = arith.constant 0 : i32
    %dma_wait3A_207 = tpu.memref_slice %arg4[%mul3A_2, %dma_wait3A_206] : memref<204800x128xf32, #tpu.memory_space<hbm>> -> memref<128x128xf32, #tpu.memory_space<hbm>>
    %dma_wait3A_208 = arith.constant 0 : i32
    %dma_wait3A_209 = tpu.memref_slice %arg4[%mul3A_2, %dma_wait3A_208] : memref<204800x128xf32, #tpu.memory_space<hbm>> -> memref<128x128xf32, #tpu.memory_space<hbm>>
    %dma_wait3A_210 = arith.constant 0 : i32
    %dma_wait3A_211 = arith.constant 0 : i32
    %dma_wait3A_212 = tpu.memref_slice %arg6[%dma_wait3A_201, %dma_wait3A_210, %dma_wait3A_211] : memref<5x128x128xf32, #tpu.memory_space<vmem>> -> memref<1x128x128xf32, #tpu.memory_space<vmem>>
    %dma_wait3A_213 = tpu.memref_squeeze %dma_wait3A_212 : memref<1x128x128xf32, #tpu.memory_space<vmem>> -> memref<128x128xf32, #tpu.memory_space<vmem>>
    tpu.wait_dma2 semaphore(%arg12 : memref<!tpu.dma_semaphore, #tpu.memory_space<semaphore_mem>>) src(%dma_wait3A_213 : memref<128x128xf32, #tpu.memory_space<vmem>>) dst(%dma_wait3A_209 : memref<128x128xf32, #tpu.memory_space<hbm>>)
    %dma_wait3A_214 = arith.constant 1 : i32
    %dma_wait3A_215 = arith.constant 0 : i32
    %dma_wait3A_216 = arith.constant 0 : i32
    %dma_wait3A_217 = tpu.memref_slice %arg6[%dma_wait3A_214, %dma_wait3A_215, %dma_wait3A_216] : memref<5x128x128xf32, #tpu.memory_space<vmem>> -> memref<1x128x128xf32, #tpu.memory_space<vmem>>
    %dma_wait3A_218 = tpu.memref_squeeze %dma_wait3A_217 : memref<1x128x128xf32, #tpu.memory_space<vmem>> -> memref<128x128xf32, #tpu.memory_space<vmem>>
    %dma_wait3A_219 = arith.constant 0 : i32
    %dma_wait3A_220 = tpu.memref_slice %arg4[%mul3A_2, %dma_wait3A_219] : memref<204800x128xf32, #tpu.memory_space<hbm>> -> memref<128x128xf32, #tpu.memory_space<hbm>>
    %dma_wait3A_221 = arith.constant 0 : i32
    %dma_wait3A_222 = tpu.memref_slice %arg4[%mul3A_2, %dma_wait3A_221] : memref<204800x128xf32, #tpu.memory_space<hbm>> -> memref<128x128xf32, #tpu.memory_space<hbm>>
    %dma_wait3A_223 = arith.constant 0 : i32
    %dma_wait3A_224 = arith.constant 0 : i32
    %dma_wait3A_225 = tpu.memref_slice %arg6[%dma_wait3A_214, %dma_wait3A_223, %dma_wait3A_224] : memref<5x128x128xf32, #tpu.memory_space<vmem>> -> memref<1x128x128xf32, #tpu.memory_space<vmem>>
    %dma_wait3A_226 = tpu.memref_squeeze %dma_wait3A_225 : memref<1x128x128xf32, #tpu.memory_space<vmem>> -> memref<128x128xf32, #tpu.memory_space<vmem>>
    tpu.wait_dma2 semaphore(%arg13 : memref<!tpu.dma_semaphore, #tpu.memory_space<semaphore_mem>>) src(%dma_wait3A_226 : memref<128x128xf32, #tpu.memory_space<vmem>>) dst(%dma_wait3A_222 : memref<128x128xf32, #tpu.memory_space<hbm>>)
    %dma_wait3A_227 = arith.constant 2 : i32
    %dma_wait3A_228 = arith.constant 0 : i32
    %dma_wait3A_229 = arith.constant 0 : i32
    %dma_wait3A_230 = tpu.memref_slice %arg6[%dma_wait3A_227, %dma_wait3A_228, %dma_wait3A_229] : memref<5x128x128xf32, #tpu.memory_space<vmem>> -> memref<1x128x128xf32, #tpu.memory_space<vmem>>
    %dma_wait3A_231 = tpu.memref_squeeze %dma_wait3A_230 : memref<1x128x128xf32, #tpu.memory_space<vmem>> -> memref<128x128xf32, #tpu.memory_space<vmem>>
    %dma_wait3A_232 = arith.constant 0 : i32
    %dma_wait3A_233 = tpu.memref_slice %arg4[%mul3A_2, %dma_wait3A_232] : memref<204800x128xf32, #tpu.memory_space<hbm>> -> memref<128x128xf32, #tpu.memory_space<hbm>>
    %dma_wait3A_234 = arith.constant 0 : i32
    %dma_wait3A_235 = tpu.memref_slice %arg4[%mul3A_2, %dma_wait3A_234] : memref<204800x128xf32, #tpu.memory_space<hbm>> -> memref<128x128xf32, #tpu.memory_space<hbm>>
    %dma_wait3A_236 = arith.constant 0 : i32
    %dma_wait3A_237 = arith.constant 0 : i32
    %dma_wait3A_238 = tpu.memref_slice %arg6[%dma_wait3A_227, %dma_wait3A_236, %dma_wait3A_237] : memref<5x128x128xf32, #tpu.memory_space<vmem>> -> memref<1x128x128xf32, #tpu.memory_space<vmem>>
    %dma_wait3A_239 = tpu.memref_squeeze %dma_wait3A_238 : memref<1x128x128xf32, #tpu.memory_space<vmem>> -> memref<128x128xf32, #tpu.memory_space<vmem>>
    tpu.wait_dma2 semaphore(%arg14 : memref<!tpu.dma_semaphore, #tpu.memory_space<semaphore_mem>>) src(%dma_wait3A_239 : memref<128x128xf32, #tpu.memory_space<vmem>>) dst(%dma_wait3A_235 : memref<128x128xf32, #tpu.memory_space<hbm>>)
    %dma_wait3A_240 = arith.constant 3 : i32
    %dma_wait3A_241 = arith.constant 0 : i32
    %dma_wait3A_242 = arith.constant 0 : i32
    %dma_wait3A_243 = tpu.memref_slice %arg6[%dma_wait3A_240, %dma_wait3A_241, %dma_wait3A_242] : memref<5x128x128xf32, #tpu.memory_space<vmem>> -> memref<1x128x128xf32, #tpu.memory_space<vmem>>
    %dma_wait3A_244 = tpu.memref_squeeze %dma_wait3A_243 : memref<1x128x128xf32, #tpu.memory_space<vmem>> -> memref<128x128xf32, #tpu.memory_space<vmem>>
    %dma_wait3A_245 = arith.constant 0 : i32
    %dma_wait3A_246 = tpu.memref_slice %arg4[%mul3A_2, %dma_wait3A_245] : memref<204800x128xf32, #tpu.memory_space<hbm>> -> memref<128x128xf32, #tpu.memory_space<hbm>>
    %dma_wait3A_247 = arith.constant 0 : i32
    %dma_wait3A_248 = tpu.memref_slice %arg4[%mul3A_2, %dma_wait3A_247] : memref<204800x128xf32, #tpu.memory_space<hbm>> -> memref<128x128xf32, #tpu.memory_space<hbm>>
    %dma_wait3A_249 = arith.constant 0 : i32
    %dma_wait3A_250 = arith.constant 0 : i32
    %dma_wait3A_251 = tpu.memref_slice %arg6[%dma_wait3A_240, %dma_wait3A_249, %dma_wait3A_250] : memref<5x128x128xf32, #tpu.memory_space<vmem>> -> memref<1x128x128xf32, #tpu.memory_space<vmem>>
    %dma_wait3A_252 = tpu.memref_squeeze %dma_wait3A_251 : memref<1x128x128xf32, #tpu.memory_space<vmem>> -> memref<128x128xf32, #tpu.memory_space<vmem>>
    tpu.wait_dma2 semaphore(%arg15 : memref<!tpu.dma_semaphore, #tpu.memory_space<semaphore_mem>>) src(%dma_wait3A_252 : memref<128x128xf32, #tpu.memory_space<vmem>>) dst(%dma_wait3A_248 : memref<128x128xf32, #tpu.memory_space<hbm>>)
    %dma_wait3A_253 = arith.constant 4 : i32
    %dma_wait3A_254 = arith.constant 0 : i32
    %dma_wait3A_255 = arith.constant 0 : i32
    %dma_wait3A_256 = tpu.memref_slice %arg6[%dma_wait3A_253, %dma_wait3A_254, %dma_wait3A_255] : memref<5x128x128xf32, #tpu.memory_space<vmem>> -> memref<1x128x128xf32, #tpu.memory_space<vmem>>
    %dma_wait3A_257 = tpu.memref_squeeze %dma_wait3A_256 : memref<1x128x128xf32, #tpu.memory_space<vmem>> -> memref<128x128xf32, #tpu.memory_space<vmem>>
    %dma_wait3A_258 = arith.constant 0 : i32
    %dma_wait3A_259 = tpu.memref_slice %arg4[%mul3A_2, %dma_wait3A_258] : memref<204800x128xf32, #tpu.memory_space<hbm>> -> memref<128x128xf32, #tpu.memory_space<hbm>>
    %dma_wait3A_260 = arith.constant 0 : i32
    %dma_wait3A_261 = tpu.memref_slice %arg4[%mul3A_2, %dma_wait3A_260] : memref<204800x128xf32, #tpu.memory_space<hbm>> -> memref<128x128xf32, #tpu.memory_space<hbm>>
    %dma_wait3A_262 = arith.constant 0 : i32
    %dma_wait3A_263 = arith.constant 0 : i32
    %dma_wait3A_264 = tpu.memref_slice %arg6[%dma_wait3A_253, %dma_wait3A_262, %dma_wait3A_263] : memref<5x128x128xf32, #tpu.memory_space<vmem>> -> memref<1x128x128xf32, #tpu.memory_space<vmem>>
    %dma_wait3A_265 = tpu.memref_squeeze %dma_wait3A_264 : memref<1x128x128xf32, #tpu.memory_space<vmem>> -> memref<128x128xf32, #tpu.memory_space<vmem>>
    tpu.wait_dma2 semaphore(%arg16 : memref<!tpu.dma_semaphore, #tpu.memory_space<semaphore_mem>>) src(%dma_wait3A_265 : memref<128x128xf32, #tpu.memory_space<vmem>>) dst(%dma_wait3A_261 : memref<128x128xf32, #tpu.memory_space<hbm>>)
    return
  }
}

</mosaic_0001>

<sc_bundles>
// kernel: kernel.3.cloned.1.call-start
scs
__scs_entry_jumppad:
0x0: {  	(pc) =	sbr.rel $0x88, $3  }
0x1: {  	(tag) =	ssettag $0x0;
	lr =	simm.s32 $0x1  }
0x2: {  	[smem:$0x3F9F] =	sst lr;
	_ =	strace $0xD0000000  }
0x3: {  	_ = 	snop  }
0x4: {  	_ = 	snop  }
0x5: {  	_ = 	snop  }
0x6: {  	_ = 	snop  }
0x7: {  	_ = 	snop  }
__scs_overlays_trampoline_lowered:
0x8: {  	[smem:$0x3FAE] =	sst s0  }
0x9: {  	[smem:$0x3FAF] =	sst s1  }
0xa: {  	[smem:$0x3FB0] =	sst s2  }
0xb: {  	[smem:$0x3FB1] =	sst s3  }
0xc: {  	[smem:$0x3FB2] =	sst s4  }
0xd: {  	[smem:$0x3FB3] =	sst s5  }
0xe: {  	[smem:$0x3FB4] =	sst s6  }
0xf: {  	[smem:$0x3FB5] =	sst s7  }
0x10: {  	[smem:$0x3FB6] =	sst s8  }
0x11: {  	[smem:$0x3FB7] =	sst s9;
	s0 =	simm.s32 @!p0 $0x0  }
0x12: {  	s1 =	sld [smem:$0x3F9D];
	s0 =	simm.s32 @p0 $0x1  }
0x13: {  	[smem:$0x3FB8] =	sst s0;
	s0 =	simm.s32 @!p1 $0x0  }
0x14: {  	s2 =	sld [smem:$0x3F9C];
	s0 =	simm.s32 @p1 $0x1  }
0x15: {  	[smem:$0x3FB9] =	sst s0;
	s0 =	simm.s32 @!p2 $0x0  }
0x16: {  	s3 =	sld [smem:$0x3FDB];
	s0 =	simm.s32 @p2 $0x1  }
0x17: {  	s4 =	simm.s32 $0x1BF5;
	[smem:$0x3FBB] =	sst s0  }
0x18: {  	s0 =	sld [smem:$0x3F9E];
	_ =	swait.ge [sflag:s4], $0x0  }
0x19: {  	s7 =	sld [smem:$0x3F9F]  }
0x1a: {  	s8 =	sadd.s32 $0xFFFFE003, lr  }
0x1b: {  	s9 =	sadd.s32 $0xFFFFFEF7, lr;
	s5 =	simm.s32 $0xFFFFFFFF;
	p2 =	slt.u32 s8, $0xFFFFF086  }
0x1c: {  	p1 =	slt.u32 s9, $0xF7A;
	s5 =	simm.s32 @!p2 $0x0  }
0x1d: {  	s5 =	simm.s32 @p1 $0x1;
	p0 =	seq.s32 s7, s2  }
0x1e: {  	s7 =	smul.u32 @!p0 $0xF7A, s2;
	p2 =	seq.s32 @!p0 s5, $0x0  }
0x1f: {  	s9 =	smul.u32 $0xF7A, s1;
	s8 =	simm.s32 @!p0 $0x1BF5;
	p2 =	por !p2, p0  }
0x20: {  	[sflag:s8] =	ssyncset.s32 @!p0 $0xFFFFF086;
	s6 =	sadd.s32 @!p0 s3, s7;
	s7 =	simm.s32 @!p0 $0x108  }
0x21: {  	s3 =	sadd.s32 s3, s9;
	s6 =	sadd.s32 @!p0 $0x88, s6;
	s7 =	simm.s32 @p2 $0x1082  }
0x22: {  	[simem:s7], [sflag:s8] =	dma.local @!p0 [hbm:s6], $0xF7A  }
0x23: {  	s9 =	sor.u32 $0xD0000000, s2;
	s6 =	simm.s32 $0x108;
	_ =	swait.ge @!p0 [sflag:s8], $0x0  }
0x24: {  	s3 =	sadd.s32 $0x88, s3;
	s6 =	simm.s32 @!p1 $0x1082;
	[sflag:s4] =	ssyncset.s32 $0xFFFFF086  }
0x25: {  	[simem:s6], [sflag:s4] =	dma.local [hbm:s3], $0xF7A  }
0x26: {  	[smem:$0x3F9F] =	sst s1;
	(tag) =	ssettag s2;
	_ =	strace s9  }
0x27: {  	s1 =	sld [smem:$0x3FAF]  }
0x28: {  	s2 =	sld [smem:$0x3FB0]  }
0x29: {  	s4 =	sld [smem:$0x3FB2]  }
0x2a: {  	p0 =	seq.s32 s5, $0x0;
	s5 =	sld [smem:$0x3FB3]  }
0x2b: {  	s6 =	sld [smem:$0x3FB4]  }
0x2c: {  	s7 =	sld [smem:$0x3FB5]  }
0x2d: {  	s3 =	simm.s32 $0x108;
	s8 =	sld [smem:$0x3FB6]  }
0x2e: {  	s3 =	simm.s32 @!p0 $0x1082;
	s9 =	sld [smem:$0x3FB7]  }
0x2f: {  	lr =	sadd.s32 s0, s3;
	s0 =	sld [smem:$0x3FAE]  }
0x30: {  	s3 =	sld [smem:$0x3FB1]  }
0x31: {  	[smem:$0x3FBA] =	sst s10  }
0x32: {  	s10 =	sld [smem:$0x3FB8];
	_ =	sdelay $0x3  }
0x33: {  	p0 =	seq.s32 s10, $0x1;
	s10 =	sld [smem:$0x3FBA];
	_ =	sdelay $0x3  }
0x34: {  	[smem:$0x3FBA] =	sst s10  }
0x35: {  	s10 =	sld [smem:$0x3FB9];
	_ =	sdelay $0x3  }
0x36: {  	p1 =	seq.s32 s10, $0x1;
	s10 =	sld [smem:$0x3FBA];
	_ =	sdelay $0x3  }
0x37: {  	[smem:$0x3FBA] =	sst s10  }
0x38: {  	s10 =	sld [smem:$0x3FBB]  }
0x39: {  	_ = 	snop;
	(pc) =	sbr.ind lr, $3  }
0x3a: {  	_ = 	snop  }
0x3b: {  	_ = 	snop  }
0x3c: {  	p2 =	seq.s32 s10, $0x1;
	s10 =	sld [smem:$0x3FBA]  }
0x3d: {  	_ =	shalt  }
0x3e: {  	_ =	shalt  }
0x3f: {  	_ =	shalt  }
0x40: {  	_ =	shalt  }
0x41: {  	_ =	shalt  }
0x42: {  	_ =	shalt  }
0x43: {  	_ =	shalt  }
0x44: {  	_ =	shalt  }
0x45: {  	_ =	shalt  }
0x46: {  	_ =	shalt  }
0x47: {  	_ =	shalt  }
0x48: {  	_ =	shalt  }
0x49: {  	_ =	shalt  }
0x4a: {  	_ =	shalt  }
0x4b: {  	_ =	shalt  }
0x4c: {  	_ =	shalt  }
0x4d: {  	_ =	shalt  }
0x4e: {  	_ =	shalt  }
0x4f: {  	_ =	shalt  }
0x50: {  	_ =	shalt  }
0x51: {  	_ =	shalt  }
0x52: {  	_ =	shalt  }
0x53: {  	_ =	shalt  }
0x54: {  	_ =	shalt  }
0x55: {  	_ =	shalt  }
0x56: {  	_ =	shalt  }
0x57: {  	_ =	shalt  }
0x58: {  	_ =	shalt  }
0x59: {  	_ =	shalt  }
0x5a: {  	_ =	shalt  }
0x5b: {  	_ =	shalt  }
0x5c: {  	_ =	shalt  }
0x5d: {  	_ =	shalt  }
0x5e: {  	_ =	shalt  }
0x5f: {  	_ =	shalt  }
0x60: {  	_ =	shalt  }
0x61: {  	_ =	shalt  }
0x62: {  	_ =	shalt  }
0x63: {  	_ =	shalt  }
0x64: {  	_ =	shalt  }
0x65: {  	_ =	shalt  }
0x66: {  	_ =	shalt  }
0x67: {  	_ =	shalt  }
0x68: {  	_ =	shalt  }
0x69: {  	_ =	shalt  }
0x6a: {  	_ =	shalt  }
0x6b: {  	_ =	shalt  }
0x6c: {  	_ =	shalt  }
0x6d: {  	_ =	shalt  }
0x6e: {  	_ =	shalt  }
0x6f: {  	_ =	shalt  }
0x70: {  	_ =	shalt  }
0x71: {  	_ =	shalt  }
0x72: {  	_ =	shalt  }
0x73: {  	_ =	shalt  }
0x74: {  	_ =	shalt  }
0x75: {  	_ =	shalt  }
0x76: {  	_ =	shalt  }
0x77: {  	_ =	shalt  }
0x78: {  	_ =	shalt  }
0x79: {  	_ =	shalt  }
0x7a: {  	_ =	shalt  }
0x7b: {  	_ =	shalt  }
0x7c: {  	_ =	shalt  }
0x7d: {  	_ =	shalt  }
0x7e: {  	_ =	shalt  }
0x7f: {  	_ =	shalt  }
0x80: {  	_ =	shalt  }
0x81: {  	_ =	shalt  }
0x82: {  	_ =	shalt  }
0x83: {  	_ =	shalt  }
0x84: {  	_ =	shalt  }
0x85: {  	_ =	shalt  }
0x86: {  	_ =	shalt  }
0x87: {  	_ =	shalt  }
.Lfunc_end0:
.L_simem_size_0:
called_computation_lowered:
.L_overlay_start_0:
0x88: {  	s2 =	sld [smem:$0x3FD9]  }
0x89: {  	s3 =	sld [smem:$0x3FFE];
	_ =	sdelay $0x1  }
0x8a: {  	s1 =	srdreg.scid  }
0x8b: {  	s0 =	sand.u32 $0x1, s1  }
0x8c: {  	s17 =	sshll.u32 s0, $0xA;
	s2 =	sadd.s32 s3, s2  }
0x8d: {  	s2 =	sadd.s32 s2, s17  }
0x8e: {  	[smem:$0x3FC6] =	sst s2  }
0x8f: {  	_ = 	snop  }
0x90: {  	s2 =	sld [smem:$0x3FC8]  }
0x91: {  	s18 =	sld [smem:$0x3FD0];
	(tm) =	ssettm $0x1  }
0x92: {  	s4 =	sld [smem:$0x3FFB];
	_ =	sdelay $0x3  }
0x93: {  	_ =	strace s4  }
0x94: {  	s4 =	sld [smem:$0x3FFC];
	_ =	sdelay $0x3  }
0x95: {  	_ =	strace s4  }
0x96: {  	s4 =	sld [smem:$0x3FFD];
	_ =	sdelay $0x3  }
0x97: {  	_ =	strace s4  }
0x98: {  	_ =	strace $0x8FFFFFFF  }
0x99: {  	s19 =	sld [smem:$0x3FDB];
	_ =	sdelay $0x1  }
0x9a: {  	s5 =	simm.s32 $_scs_section_size  }
0x9b: {  	s6 =	simm.s32 $_size__tile_overlayer_lowered;
	s7 =	simm.s32 $_tile_overlayer_lowered  }
0x9c: {  	s22 =	simm.s32 $0x1BFF;
	s21 =	sshll.u32 s7, $0x1;
	s4 =	sadd.s32 s5, s19  }
0x9d: {  	s8 =	simm.s32 $0x0;
	s20 =	sshll.u32 s6, $0x1;
	s6 =	sadd.s32 s21, s4  }
0x9e: {  	[timem:s8], [sflag:s22] =	dma.local [hbm:s6], s20  }
0x9f: {  	_ =	swait.ge [sflag:s22], s20  }
0xa0: {  	s5 =	ssub.s32 $0x0, s20;
	[sflag:s22] =	ssyncset.done $0x0  }
0xa1: {  	[sflag:s22] =	ssyncadd.s32 s5;
	_ =	sdelay $0x1  }
0xa2: {  	s23 =	simm.s32 $0x1B8B  }
0xa3: {  	_ =	swait.ge [sflag:s23], $0x1  }
0xa4: {  	[sflag:s23] =	ssyncset.done $0x0  }
0xa5: {  	s25 =	simm.s32 $0x1B8E;
	s24 =	sld [smem:$0x3FFE];
	[sflag:s23] =	ssyncadd.s32 $0xFFFFFFFF  }
0xa6: {  	s26 =	simm.s32 $execute0_lowered;
	[smem:$0x3FD2] =	sst s25  }
0xa7: {  	s6 =	sshll.u32 s26, $0x1;
	_ =	strace $0x80000046;
	[dreg:$0x1] =	wrdreg $0xFFFFFFFF  }
0xa8: {  	s28 =	simm.s32 $_size_execute0_lowered;
	s4 =	sadd.s32 s4, s6;
	[dreg:$0x0] =	wrdreg $0x0  }
0xa9: {  	s6 =	sshll.u32 s28, $0x1;
	[dreg:$0x2] =	wrdreg s4  }
0xaa: {  	[dreg:$0x3] =	wrdreg s6  }
0xab: {  	[dreg:$0x4] =	wrdreg $0xC0  }
0xac: {  	_ =	task [dreg:s8], $0x5FFFF  }
0xad: {  	[dreg:$0x1] =	wrdreg $0xFFFFFFFF  }
0xae: {  	[dreg:$0x0] =	wrdreg $0x60  }
0xaf: {  	[dreg:$0x2] =	wrdreg s24  }
0xb0: {  	[dreg:$0x3] =	wrdreg s2  }
0xb1: {  	[dreg:$0x4] =	wrdreg s18  }
0xb2: {  	[dreg:$0x5] =	wrdreg $0x9  }
0xb3: {  	_ =	task.clear_ibuf [dreg:s8], $0x6FFFF;
	_ =	strace $0x90000046  }
0xb4: {  	s29 =	simm.s32 $0x9;
	_ =	strace $0x80000048  }
0xb5: {  	_ =	swait.ge [sflag:s29], $0x1  }
0xb6: {  	[sflag:s29] =	ssyncadd.s32 $0xFFFFFFFF  }
0xb7: {  	_ =	strace $0x90000048  }
0xb8: {  	_ =	sfence  }
0xb9: {  	s30 =	sld [smem:$0x0];
	_ =	sdelay $0x2  }
0xba: {  	s31 =	sshll.u32 s1, $0xD;
	s1 =	sshrl.u32 s1, $0x2  }
0xbb: {  	s3 =	sand.u32 $0x4000, s31;
	s1 =	sadd.s32 s1, s30  }
0xbc: {  	s0 =	sor.u32 s3, s0;
	s1 =	sshll.u32 s1, $0x11  }
0xbd: {  	s0 =	sor.u32 s1, s0  }
0xbe: {  	s0 =	sadd.s32 $0x8F2B, s0  }
0xbf: {  	[sflag:s0] =	ssyncadd.remote.s32 $0x1  }
0xc0: {  	_ =	sfence.sel $0xFFFF  }
0xc1: {  	[dreg:$0x0] =	wrdreg $0xFFFFFFFF;
	(pc) =	sbr.abs _section_cstart, $3  }
0xc2: {  	[dreg:$0x1] =	wrdreg $0xFFFFFFFF  }
0xc3: {  	_ =	task.clear_ibuf [dreg:s8], $0x2FFFF;
	_ =	strace $0x9FFFFFFF  }
0xc4: {  	(tm) =	ssettm $0x7FFFFFFF  }
0xc5: {  	_ =	shalt  }
tec
execute0_lowered:
.L_overlay_start_1:
0x0: {  	(tag) =	ssettag $0x1  }
0x1: {  	s0 =	rddreg [dreg:$0x0]  }
0x2: {  	s1 =	srdreg.scid;
	s2 =	rddreg [dreg:$0x1]  }
0x3: {  	s8 =	stileid.u32;
	s7 =	rddreg [dreg:$0x2]  }
0x4: {  	s12 =	simm.s32 $0xB;
	s13 =	simm.s32 $0x80;
	s14 =	simm.s32 $0x1C00  }
0x5: {  	s15 =	simm.s32 $0x5C00;
	s17 =	simm.s32 $0x9C00;
	s19 =	simm.s32 $0xDC00  }
0x6: {  	s21 =	simm.s32 $0x11C00;
	s22 =	simm.s32 $0x1;
	s23 =	simm.s32 $0x6  }
0x7: {  	s28 =	simm.s32 $0x8;
	s29 =	simm.s32 $0x4;
	s30 =	simm.s32 $0x9  }
0x8: {  	s1 =	sand.u32 $0x1, s1;
	s3 =	sshll.u32 s8, $0x1;
	s8 =	smul.u32 $0x32000, s8  }
0x9: {  	s4 =	sor.u32 s1, s3;
	s6 =	ssub.s32 $0x2, s1;
	s1 =	smul.u32 $0x19000, s1  }
0xa: {  	s31 =	simm.s32 $0x5;
	s3 =	simm.s32 $0x0;
	s5 =	smul.u32 $0x380, s4  }
0xb: {  	[smem:$0x7FF] =	sst s3;
	s4 =	smul.u32 $0xC8000, s4;
	s24 =	sshrl.u32 s6, $0x1  }
0xc: {  	s9 =	sadd.s32 s8, s7;
	_ =	strace $0x80000047;
	s10 =	ssub.s32 s6, s24  }
0xd: {  	s1 =	sadd.s32 s1, s9;
	s24 =	simm.s32 $0x2;
	s0 =	sadd.s32 s5, s0  }
0xe: {  	s25 =	sshrl.u32 s4, $0x3;
	s10 =	smax.u32 s10, $0x1;
	s11 =	sadd.s32 $0x2000, s1  }
0xf: {  	s1 =	simm.s32 $0xA;
	s0 =	sadd.s32 $0x400, s0;
	s26 =	sadd.s32 s7, s25  }
0x10: {  	s25 =	simm.s32 $0x7;
	[dreg:$0x4] =	wrdreg s0;
	s5 =	sadd.s32 $0x16800, s26  }
0x11: {  	s6 =	sadd.s32 $0x17000, s26;
	s7 =	sadd.s32 $0x17800, s26;
	s8 =	sadd.s32 $0x18000, s26  }
0x12: {  	s9 =	sadd.s32 $0x18800, s26;
	s26 =	simm.s32 $0x3;
	s0 =	simm.s32 $0x0  }
.LBB2_1:
0x13: {  	s4 =	rddreg [dreg:$0x4]  }
0x14: {  	[tilespmem:s3], [sflag:$0xB] =	stream.linear.gather [hbm4b:s4+s3], $0x1900, $0x38;
	[tilespmem:$0x15C00] =	vst v63  }
0x15: {  	_ =	swait.ge [sflag:s12], $0x1900  }
0x16: {  	[sflag:s12] =	ssyncset.done $0x0  }
0x17: {  	[sflag:s12] =	ssyncadd.s32 $0xFFFFE700  }
0x18: {  	[tilespmem:s14], [sflag:$0x1] =	stream.indirect.gather [hbm4b:s2+s13], $0x80, s3, s13, $0xb8;
	[tilespmem:$0x15C00] =	vst v63  }
0x19: {  	_ = 	snop  }
0x1a: {  	[tilespmem:s15], [sflag:$0x2] =	stream.indirect.gather [hbm4b:s2+s13], $0x80, s13, s13, $0xb8;
	[tilespmem:$0x15C00] =	vst v63  }
0x1b: {  	s20 =	simm.s32 $0x100  }
0x1c: {  	[tilespmem:s17], [sflag:$0x3] =	stream.indirect.gather [hbm4b:s2+s13], $0x80, s20, s13, $0xb8;
	[tilespmem:$0x15C00] =	vst v63  }
0x1d: {  	s16 =	simm.s32 $0x180  }
0x1e: {  	[tilespmem:s19], [sflag:$0x4] =	stream.indirect.gather [hbm4b:s2+s13], $0x80, s16, s13, $0xb8;
	[tilespmem:$0x15C00] =	vst v63  }
0x1f: {  	s18 =	simm.s32 $0x200  }
0x20: {  	[tilespmem:s21], [sflag:$0x5] =	stream.indirect.gather [hbm4b:s2+s13], $0x80, s18, s13, $0xb8;
	[tilespmem:$0x15C00] =	vst v63  }
0x21: {  	_ =	swait.ge [sflag:s22], $0x4000  }
0x22: {  	[sflag:s22] =	ssyncset.done $0x0  }
0x23: {  	s16 =	sadd.s32 $0xFFFFE000, s11;
	[sflag:s22] =	ssyncadd.s32 $0xFFFFC000  }
0x24: {  	[hbm4b:s16+s3] =	stream.linear.scatter [tilespmem:s14], [sflag:$0x6], $0x4000, $0x38;
	[tilespmem:$0x15C00] =	vst v63  }
0x25: {  	_ =	swait.ge [sflag:s23], $0x4000  }
0x26: {  	[sflag:s23] =	ssyncset.done $0x0  }
0x27: {  	s20 =	simm.s32 $0x280;
	[sflag:s23] =	ssyncadd.s32 $0xFFFFC000  }
0x28: {  	[tilespmem:s14], [sflag:$0x1] =	stream.indirect.gather [hbm4b:s2+s13], $0x80, s20, s13, $0xb8;
	[tilespmem:$0x15C00] =	vst v63  }
0x29: {  	_ =	swait.ge [sflag:s24], $0x4000  }
0x2a: {  	[sflag:s24] =	ssyncset.done $0x0  }
0x2b: {  	s4 =	sadd.s32 $0xFFFFE800, s11;
	[sflag:s24] =	ssyncadd.s32 $0xFFFFC000  }
0x2c: {  	[hbm4b:s4+s3] =	stream.linear.scatter [tilespmem:s15], [sflag:$0x7], $0x4000, $0x38;
	[tilespmem:$0x15C00] =	vst v63  }
0x2d: {  	_ =	swait.ge [sflag:s25], $0x4000  }
0x2e: {  	[sflag:s25] =	ssyncset.done $0x0  }
0x2f: {  	s18 =	simm.s32 $0x300;
	[sflag:s25] =	ssyncadd.s32 $0xFFFFC000  }
0x30: {  	[tilespmem:s15], [sflag:$0x2] =	stream.indirect.gather [hbm4b:s2+s13], $0x80, s18, s13, $0xb8;
	[tilespmem:$0x15C00] =	vst v63  }
0x31: {  	_ =	swait.ge [sflag:s26], $0x4000  }
0x32: {  	[sflag:s26] =	ssyncset.done $0x0  }
0x33: {  	s20 =	sadd.s32 $0xFFFFF000, s11;
	[sflag:s26] =	ssyncadd.s32 $0xFFFFC000  }
0x34: {  	[hbm4b:s20+s3] =	stream.linear.scatter [tilespmem:s17], [sflag:$0x8], $0x4000, $0x38;
	[tilespmem:$0x15C00] =	vst v63  }
0x35: {  	_ =	swait.ge [sflag:s28], $0x4000  }
0x36: {  	[sflag:s28] =	ssyncset.done $0x0  }
0x37: {  	s4 =	simm.s32 $0x380;
	[sflag:s28] =	ssyncadd.s32 $0xFFFFC000  }
0x38: {  	[tilespmem:s17], [sflag:$0x3] =	stream.indirect.gather [hbm4b:s2+s13], $0x80, s4, s13, $0xb8;
	[tilespmem:$0x15C00] =	vst v63  }
0x39: {  	_ =	swait.ge [sflag:s29], $0x4000  }
0x3a: {  	[sflag:s29] =	ssyncset.done $0x0  }
0x3b: {  	s18 =	sadd.s32 $0xFFFFF800, s11;
	[sflag:s29] =	ssyncadd.s32 $0xFFFFC000  }
0x3c: {  	[hbm4b:s18+s3] =	stream.linear.scatter [tilespmem:s19], [sflag:$0x9], $0x4000, $0x38;
	[tilespmem:$0x15C00] =	vst v63  }
0x3d: {  	_ =	swait.ge [sflag:s30], $0x4000  }
0x3e: {  	[sflag:s30] =	ssyncset.done $0x0  }
0x3f: {  	s20 =	simm.s32 $0x400;
	[sflag:s30] =	ssyncadd.s32 $0xFFFFC000  }
0x40: {  	[tilespmem:s19], [sflag:$0x4] =	stream.indirect.gather [hbm4b:s2+s13], $0x80, s20, s13, $0xb8;
	[tilespmem:$0x15C00] =	vst v63  }
0x41: {  	_ =	swait.ge [sflag:s31], $0x4000  }
0x42: {  	[sflag:s31] =	ssyncset.done $0x0  }
0x43: {  	[sflag:s31] =	ssyncadd.s32 $0xFFFFC000  }
0x44: {  	[hbm4b:s11+s3] =	stream.linear.scatter [tilespmem:s21], [sflag:$0xA], $0x4000, $0x38;
	[tilespmem:$0x15C00] =	vst v63  }
0x45: {  	_ =	swait.ge [sflag:s1], $0x4000  }
0x46: {  	s16 =	simm.s32 $0xA00;
	[sflag:s1] =	ssyncset.done $0x0  }
0x47: {  	s18 =	sadd.s32 $0x2800, s11;
	s20 =	simm.s32 $0x480;
	[sflag:s1] =	ssyncadd.s32 $0xFFFFC000  }
.LBB2_2:
0x48: {  	[tilespmem:s21], [sflag:$0x5] =	stream.indirect.gather [hbm4b:s2+s13], $0x80, s20, s13, $0xb8;
	[tilespmem:$0x15C00] =	vst v63  }
0x49: {  	s20 =	smov.u32 s16  }
0x4a: {  	p0 =	sne.s32 s16, $0x5000;
	s16 =	sadd.s32 $0xA00, s16;
	_ =	swait.ge [sflag:s22], $0x4000  }
0x4b: {  	[sflag:s22] =	ssyncset.done $0x0  }
0x4c: {  	s4 =	sadd.s32 $0xFFFFE000, s18;
	[sflag:s22] =	ssyncadd.s32 $0xFFFFC000  }
0x4d: {  	[hbm4b:s4+s3] =	stream.linear.scatter [tilespmem:s14], [sflag:$0x6], $0x4000, $0x38;
	[tilespmem:$0x15C00] =	vst v63  }
0x4e: {  	_ =	swait.ge [sflag:s23], $0x4000  }
0x4f: {  	s20 =	sshra.s32 s20, $0x2;
	[sflag:s23] =	ssyncset.done $0x0  }
0x50: {  	s4 =	sadd.s32 $0x280, s20;
	[sflag:s23] =	ssyncadd.s32 $0xFFFFC000  }
0x51: {  	[tilespmem:s14], [sflag:$0x1] =	stream.indirect.gather [hbm4b:s2+s13], $0x80, s4, s13, $0xb8;
	[tilespmem:$0x15C00] =	vst v63  }
0x52: {  	_ =	swait.ge [sflag:s24], $0x4000  }
0x53: {  	[sflag:s24] =	ssyncset.done $0x0  }
0x54: {  	s4 =	sadd.s32 $0xFFFFE800, s18;
	[sflag:s24] =	ssyncadd.s32 $0xFFFFC000  }
0x55: {  	[hbm4b:s4+s3] =	stream.linear.scatter [tilespmem:s15], [sflag:$0x7], $0x4000, $0x38;
	[tilespmem:$0x15C00] =	vst v63  }
0x56: {  	_ =	swait.ge [sflag:s25], $0x4000  }
0x57: {  	[sflag:s25] =	ssyncset.done $0x0  }
0x58: {  	s4 =	sadd.s32 $0x300, s20;
	[sflag:s25] =	ssyncadd.s32 $0xFFFFC000  }
0x59: {  	[tilespmem:s15], [sflag:$0x2] =	stream.indirect.gather [hbm4b:s2+s13], $0x80, s4, s13, $0xb8;
	[tilespmem:$0x15C00] =	vst v63  }
0x5a: {  	_ =	swait.ge [sflag:s26], $0x4000  }
0x5b: {  	[sflag:s26] =	ssyncset.done $0x0  }
0x5c: {  	s4 =	sadd.s32 $0xFFFFF000, s18;
	[sflag:s26] =	ssyncadd.s32 $0xFFFFC000  }
0x5d: {  	[hbm4b:s4+s3] =	stream.linear.scatter [tilespmem:s17], [sflag:$0x8], $0x4000, $0x38;
	[tilespmem:$0x15C00] =	vst v63  }
0x5e: {  	_ =	swait.ge [sflag:s28], $0x4000  }
0x5f: {  	[sflag:s28] =	ssyncset.done $0x0  }
0x60: {  	s4 =	sadd.s32 $0x380, s20;
	[sflag:s28] =	ssyncadd.s32 $0xFFFFC000  }
0x61: {  	[tilespmem:s17], [sflag:$0x3] =	stream.indirect.gather [hbm4b:s2+s13], $0x80, s4, s13, $0xb8;
	[tilespmem:$0x15C00] =	vst v63  }
0x62: {  	_ =	swait.ge [sflag:s29], $0x4000  }
0x63: {  	[sflag:s29] =	ssyncset.done $0x0  }
0x64: {  	s4 =	sadd.s32 $0xFFFFF800, s18;
	[sflag:s29] =	ssyncadd.s32 $0xFFFFC000  }
0x65: {  	[hbm4b:s4+s3] =	stream.linear.scatter [tilespmem:s19], [sflag:$0x9], $0x4000, $0x38;
	[tilespmem:$0x15C00] =	vst v63  }
0x66: {  	_ =	swait.ge [sflag:s30], $0x4000  }
0x67: {  	[sflag:s30] =	ssyncset.done $0x0  }
0x68: {  	s4 =	sadd.s32 $0x400, s20;
	[sflag:s30] =	ssyncadd.s32 $0xFFFFC000  }
0x69: {  	[tilespmem:s19], [sflag:$0x4] =	stream.indirect.gather [hbm4b:s2+s13], $0x80, s4, s13, $0xb8;
	[tilespmem:$0x15C00] =	vst v63  }
0x6a: {  	_ =	swait.ge [sflag:s31], $0x4000  }
0x6b: {  	[sflag:s31] =	ssyncset.done $0x0  }
.Ltmp0:
0x6c: {  	[sflag:s31] =	ssyncadd.s32 $0xFFFFC000;
	(pc) =	sbr.rel @p0 .LBB2_2-.Ltmp0, $4  }
0x6d: {  	[hbm4b:s18+s3] =	stream.linear.scatter [tilespmem:s21], [sflag:$0xA], $0x4000, $0x38;
	[tilespmem:$0x15C00] =	vst v63  }
0x6e: {  	_ =	swait.ge [sflag:s1], $0x4000  }
0x6f: {  	[sflag:s1] =	ssyncset.done $0x0  }
0x70: {  	s20 =	sadd.s32 $0x480, s20;
	s18 =	sadd.s32 $0x2800, s18;
	[sflag:s1] =	ssyncadd.s32 $0xFFFFC000  }
0x71: {  	[tilespmem:s21], [sflag:$0x5] =	stream.indirect.gather [hbm4b:s2+s13], $0x80, s20, s13, $0xb8;
	[tilespmem:$0x15C00] =	vst v63  }
0x72: {  	_ =	swait.ge [sflag:s22], $0x4000  }
0x73: {  	[sflag:s22] =	ssyncset.done $0x0  }
0x74: {  	[sflag:s22] =	ssyncadd.s32 $0xFFFFC000  }
0x75: {  	[hbm4b:s5+s3] =	stream.linear.scatter [tilespmem:s14], [sflag:$0x6], $0x4000, $0x38;
	[tilespmem:$0x15C00] =	vst v63  }
0x76: {  	_ =	swait.ge [sflag:s24], $0x4000  }
0x77: {  	[sflag:s24] =	ssyncset.done $0x0  }
0x78: {  	[sflag:s24] =	ssyncadd.s32 $0xFFFFC000  }
0x79: {  	[hbm4b:s6+s3] =	stream.linear.scatter [tilespmem:s15], [sflag:$0x7], $0x4000, $0x38;
	[tilespmem:$0x15C00] =	vst v63  }
0x7a: {  	_ =	swait.ge [sflag:s26], $0x4000  }
0x7b: {  	[sflag:s26] =	ssyncset.done $0x0  }
0x7c: {  	[sflag:s26] =	ssyncadd.s32 $0xFFFFC000  }
0x7d: {  	[hbm4b:s7+s3] =	stream.linear.scatter [tilespmem:s17], [sflag:$0x8], $0x4000, $0x38;
	[tilespmem:$0x15C00] =	vst v63  }
0x7e: {  	_ =	swait.ge [sflag:s29], $0x4000  }
0x7f: {  	[sflag:s29] =	ssyncset.done $0x0  }
0x80: {  	[sflag:s29] =	ssyncadd.s32 $0xFFFFC000  }
0x81: {  	[hbm4b:s8+s3] =	stream.linear.scatter [tilespmem:s19], [sflag:$0x9], $0x4000, $0x38;
	[tilespmem:$0x15C00] =	vst v63  }
0x82: {  	_ =	swait.ge [sflag:s31], $0x4000  }
0x83: {  	[sflag:s31] =	ssyncset.done $0x0  }
0x84: {  	[sflag:s31] =	ssyncadd.s32 $0xFFFFC000  }
0x85: {  	[hbm4b:s9+s3] =	stream.linear.scatter [tilespmem:s21], [sflag:$0xA], $0x4000, $0x38;
	[tilespmem:$0x15C00] =	vst v63  }
0x86: {  	_ =	swait.ge [sflag:s23], $0x4000  }
0x87: {  	[sflag:s23] =	ssyncset.done $0x0  }
0x88: {  	[sflag:s23] =	ssyncadd.s32 $0xFFFFC000  }
0x89: {  	_ =	swait.ge [sflag:s25], $0x4000  }
0x8a: {  	[sflag:s25] =	ssyncset.done $0x0  }
0x8b: {  	[sflag:s25] =	ssyncadd.s32 $0xFFFFC000  }
0x8c: {  	_ =	swait.ge [sflag:s28], $0x4000  }
0x8d: {  	[sflag:s28] =	ssyncset.done $0x0  }
0x8e: {  	s0 =	sadd.s32 $0x1, s0;
	[sflag:s28] =	ssyncadd.s32 $0xFFFFC000  }
0x8f: {  	p0 =	sne.s32 s0, s10;
	_ =	swait.ge [sflag:s30], $0x4000  }
.Ltmp1:
0x90: {  	[sflag:s30] =	ssyncset.done $0x0;
	(pc) =	sbr.rel @p0 .LBB2_1-.Ltmp1, $4  }
0x91: {  	[sflag:s30] =	ssyncadd.s32 $0xFFFFC000  }
0x92: {  	_ =	swait.ge [sflag:s1], $0x4000  }
0x93: {  	[sflag:s1] =	ssyncset.done $0x0  }
0x94: {  	[sflag:s1] =	ssyncadd.s32 $0xFFFFC000  }
0x95: {  	_ =	sfence.sel $0x180000  }
0x96: {  	[bflag:$0x0] =	sbarrier.arrive $0xFFFF  }
0x97: {  	_ =	strace $0x90000047  }
0x98: {  	s0 =	stileid.u32;
	[bflag:$0x2] =	sbarrier.arrive $0xFFFF  }
0x99: {  	p0 =	sne.s32 s0, $0x0;
	s0 =	rddreg [dreg:$0x3]  }
0x9a: {  	s0 =	sadd.s32 @!p0 $0x100000, s0  }
0x9b: {  	[sflag:s0] =	ssyncadd.tile.s32 @!p0 $0x1;
	_ =	shalt  }
.Lfunc_end2:
_tile_overlayer_lowered:
.L_overlay_start_2:
0x9c: {  	(tag) =	ssettag $0x2  }
0x9d: {  	s0 =	rddreg [dreg:$0x0];
	s2 =	stileid.u32  }
0x9e: {  	s1 =	rddreg [dreg:$0x1];
	p0 =	sne.s32 s2, $0x0  }
0x9f: {  	s3 =	rddreg [dreg:$0x2];
	[bflag:$0x3] =	sbarrier.arrive $0xFFFF;
	s2 =	simm.s32 @!p0 $0x1C0B  }
0xa0: {  	[timem:s3], [sflag:s2] =	dma.local @!p0 [hbm:s0], s1  }
0xa1: {  	s0 =	simm.s32 @!p0 $0xB  }
0xa2: {  	_ =	swait.ge @!p0 [sflag:s0], s1  }
0xa3: {  	s1 =	ssub.s32 @!p0 $0x0, s1;
	[sflag:s0] =	ssyncset.done @!p0 $0x0  }
0xa4: {  	[sflag:s0] =	ssyncadd.s32 @!p0 s1  }
0xa5: {  	[bflag:$0x3] =	sbarrier.arrive $0xFFFF  }
0xa6: {  	_ =	shalt  }

</sc_bundles>
